<compile_context>
chip_gen: v7x
topology: tpu7x:2x2x1
jax: 0.10.2.dev20260603
libtpu: 0.0.44.dev20260713+nightly
codegen_flags: <defaults>
</compile_context>

<pallas_src>
import jax
import jax.numpy as jnp
from jax import lax
from jax.experimental import pallas as pl
from jax.experimental.pallas import tpu as pltpu
from jax.experimental.pallas import tpu_sc as plsc

H = 768
B = 256
N = 128
F = 9
IPN = F + 2
NC = 2
NS = 16
NW = NC * NS
GPW = B // NW
C = 4
KPG = N // C
IPC = C * IPN
LANES = H // 16
NBUF = 2


def _sum_chunk(buf, ost):
    def col(v, carry):
        base = v * 16
        for i in range(C):
            rows = [i * F + j for j in range(F)] + [F * C + i, (F + 1) * C + i]
            acc = buf[rows[0], pl.ds(base, 16)]
            for r in rows[1:]:
                acc = acc + buf[r, pl.ds(base, 16)]
            ost[pl.ds(i * H + base, 16)] = acc
        return carry
    lax.fori_loop(0, LANES, col, 0, unroll=False)


def _graph_node_feature_kernel(at_hbm, it_hbm, ot_hbm, xa_hbm, xi_hbm, xo_hbm,
                               tok_hbm, out_hbm,
                               idxa_v, idxi_v, idxo_v, bufs, osts, tok_v,
                               sg, ss):
    wid = lax.axis_index("s") * NC + lax.axis_index("c")

    pltpu.sync_copy(tok_hbm, tok_v)
    pltpu.sync_copy(xa_hbm.at[pl.ds(wid * GPW, GPW)], idxa_v)
    pltpu.sync_copy(xi_hbm.at[pl.ds(wid * GPW, GPW)], idxi_v)
    pltpu.sync_copy(xo_hbm.at[pl.ds(wid * GPW, GPW)], idxo_v)

    def tok_body(g, carry):
        gid = wid * GPW + g
        pltpu.sync_copy(tok_v, out_hbm.at[pl.ds(gid * (N + 1) * H, H)])
        return carry

    lax.fori_loop(0, GPW, tok_body, 0, unroll=False)

    def fire(q, b):
        g = q // KPG
        k = q % KPG
        pltpu.async_copy(at_hbm.at[idxa_v.at[g].at[k]],
                         bufs[b].at[pl.ds(0, F * C)], sg[b])
        pltpu.async_copy(it_hbm.at[idxi_v.at[g].at[k]],
                         bufs[b].at[pl.ds(F * C, C)], sg[b])
        pltpu.async_copy(ot_hbm.at[idxo_v.at[g].at[k]],
                         bufs[b].at[pl.ds(F * C + C, C)], sg[b])

    def drain(b):
        pltpu.make_async_copy(at_hbm.at[idxa_v.at[0].at[0]],
                              bufs[b].at[pl.ds(0, F * C)], sg[b]).wait()
        pltpu.make_async_copy(it_hbm.at[idxi_v.at[0].at[0]],
                              bufs[b].at[pl.ds(F * C, C)], sg[b]).wait()
        pltpu.make_async_copy(ot_hbm.at[idxo_v.at[0].at[0]],
                              bufs[b].at[pl.ds(F * C + C, C)], sg[b]).wait()

    TCH = GPW * KPG

    for b in range(NBUF - 1):
        fire(b, b)

    def ring(t, c2):
        for b in range(NBUF):
            q = NBUF * t + b

            @pl.when(q + NBUF - 1 < TCH)
            def _fire():
                fire(q + NBUF - 1, (b + NBUF - 1) % NBUF)

            drain(b)

            @pl.when(t > 0)
            def _wait_prev_store():
                pltpu.make_async_copy(
                    osts[b], out_hbm.at[pl.ds(0, C * H)], ss[b]).wait()

            _sum_chunk(bufs[b], osts[b])
            gid = wid * GPW + q // KPG
            row0 = (gid * (N + 1) + 1 + C * (q % KPG)) * H
            pltpu.async_copy(osts[b], out_hbm.at[pl.ds(row0, C * H)], ss[b])
        return c2

    lax.fori_loop(0, TCH // NBUF, ring, 0, unroll=False)

    for b in range(NBUF):
        pltpu.make_async_copy(
            osts[b], out_hbm.at[pl.ds(0, C * H)], ss[b]).wait()


@jax.jit
def _run(at, it, ot, xa, xi, xo, tok):
    mesh = plsc.VectorSubcoreMesh(core_axis_name="c", subcore_axis_name="s")
    return pl.kernel(
        _graph_node_feature_kernel,
        out_type=jax.ShapeDtypeStruct((B * (N + 1) * H,), jnp.float32),
        mesh=mesh,
        scratch_types=[
            pltpu.VMEM((GPW, KPG, F * C), jnp.int32),
            pltpu.VMEM((GPW, KPG, C), jnp.int32),
            pltpu.VMEM((GPW, KPG, C), jnp.int32),
            [pltpu.VMEM((IPC, H), jnp.float32) for _ in range(NBUF)],
            [pltpu.VMEM((C * H,), jnp.float32) for _ in range(NBUF)],
            pltpu.VMEM((H,), jnp.float32),
            [pltpu.SemaphoreType.DMA for _ in range(NBUF)],
            [pltpu.SemaphoreType.DMA for _ in range(NBUF)],
        ],
        compiler_params=pltpu.CompilerParams(
            use_tc_tiling_on_sc=False, needs_layout_passes=False),
    )(at, it, ot, xa, xi, xo, tok)


def kernel(x, in_degree, out_degree, atom_table, in_table, out_table, graph_token):
    xa = x.astype(jnp.int32).reshape(B, KPG, F * C)
    xi = in_degree.astype(jnp.int32).reshape(B, KPG, C)
    xo = out_degree.astype(jnp.int32).reshape(B, KPG, C)
    out = _run(atom_table, in_table, out_table, xa, xi, xo,
               graph_token.reshape(H))
    return out.reshape(B, N + 1, H)

# --- scband reference (transcript-rebuilt; emitter-appended) ---
"""Pipeline reference for scband-graph-node-feature-31069793419867 (READ-ONLY COPY).

The authoritative reference and input builder live on the scoring server;
editing this copy changes nothing except your own understanding.
"""

import jax, jax.numpy as jnp
import numpy as np

NUM_ATOMS = 4608
NUM_IN_DEG = 512
NUM_OUT_DEG = 512
HIDDEN = 768


def setup_inputs(seed: int = 0) -> dict:
    key = jax.random.key(seed)
    k1, k2, k3, k4, k5, k6, k7 = jax.random.split(key, 7)
    x = jax.random.randint(k1, (256, 128, 9), 0, NUM_ATOMS + 1, dtype=jnp.int64 if jax.config.jax_enable_x64 else jnp.int32)
    in_degree = jax.random.randint(k2, (256, 128), 0, NUM_IN_DEG, dtype=x.dtype)
    out_degree = jax.random.randint(k3, (256, 128), 0, NUM_OUT_DEG, dtype=x.dtype)
    atom_table = (0.02 * jax.random.normal(k4, (NUM_ATOMS + 1, HIDDEN), dtype=jnp.float32)).at[0].set(0.0)
    in_table = (0.02 * jax.random.normal(k5, (NUM_IN_DEG, HIDDEN), dtype=jnp.float32)).at[0].set(0.0)
    out_table = (0.02 * jax.random.normal(k6, (NUM_OUT_DEG, HIDDEN), dtype=jnp.float32)).at[0].set(0.0)
    graph_token = 0.02 * jax.random.normal(k7, (1, HIDDEN), dtype=jnp.float32)
    return {
        "x": x,
        "in_degree": in_degree,
        "out_degree": out_degree,
        "atom_table": atom_table,
        "in_table": in_table,
        "out_table": out_table,
        "graph_token": graph_token,
    }


def reference(x, in_degree, out_degree, atom_table, in_table, out_table, graph_token):
    # atom_encoder(x).sum(dim=-2): gather [B, N, F, H] then sum over feature axis
    node_feature = jnp.take(atom_table, x, axis=0).sum(axis=-2)
    node_feature = node_feature \
        + jnp.take(in_table, in_degree, axis=0) \
        + jnp.take(out_table, out_degree, axis=0)
    n_graph = x.shape[0]
    graph_token_feature = jnp.broadcast_to(graph_token[None, :, :], (n_graph, 1, graph_token.shape[-1]))
    graph_node_feature = jnp.concatenate([graph_token_feature, node_feature], axis=1)
    return graph_node_feature

if __name__ == "__main__":
    import jax
    _d = setup_inputs()
    print(jax.jit(kernel)(*tuple(_d.values())))

</pallas_src>

<mosaic_0001>
#map = affine_map<(d0, d1) -> (0, 0)>
#map1 = affine_map<(d0, d1) -> (0, 0, 0)>
#map2 = affine_map<(d0, d1) -> (0)>
module attributes {stable_mosaic.version = 14 : i64} {
  func.func @_graph_node_feature_kernel(%arg0: i32, %arg1: i32, %arg2: memref<4609x768xf32, #tpu.memory_space<hbm>>, %arg3: memref<512x768xf32, #tpu.memory_space<hbm>>, %arg4: memref<512x768xf32, #tpu.memory_space<hbm>>, %arg5: memref<256x32x36xi32, #tpu.memory_space<hbm>>, %arg6: memref<256x32x4xi32, #tpu.memory_space<hbm>>, %arg7: memref<256x32x4xi32, #tpu.memory_space<hbm>>, %arg8: memref<768xf32, #tpu.memory_space<hbm>>, %arg9: memref<25362432xf32, #tpu.memory_space<hbm>>, %arg10: memref<8x32x36xi32, #tpu.memory_space<vmem>>, %arg11: memref<8x32x4xi32, #tpu.memory_space<vmem>>, %arg12: memref<8x32x4xi32, #tpu.memory_space<vmem>>, %arg13: memref<44x768xf32, #tpu.memory_space<vmem>>, %arg14: memref<44x768xf32, #tpu.memory_space<vmem>>, %arg15: memref<3072xf32, #tpu.memory_space<vmem>>, %arg16: memref<3072xf32, #tpu.memory_space<vmem>>, %arg17: memref<768xf32, #tpu.memory_space<vmem>>, %arg18: memref<!tpu.dma_semaphore, #tpu.memory_space<semaphore_mem>>, %arg19: memref<!tpu.dma_semaphore, #tpu.memory_space<semaphore_mem>>, %arg20: memref<!tpu.dma_semaphore, #tpu.memory_space<semaphore_mem>>, %arg21: memref<!tpu.dma_semaphore, #tpu.memory_space<semaphore_mem>>) attributes {dimension_semantics = [#tpu.dimension_semantics<core_parallel>, #tpu.dimension_semantics<subcore_parallel>], iteration_bounds = array<i64: 2, 16>, scalar_prefetch = 0 : i64, scratch_operands = 12 : i64, tpu.core_type = #tpu.core_type<sc_vector_subcore>, window_params = [{transform_indices = #map}, {transform_indices = #map}, {transform_indices = #map}, {transform_indices = #map1}, {transform_indices = #map1}, {transform_indices = #map1}, {transform_indices = #map2}, {transform_indices = #map2}]} {
    %mul3A = arith.constant 2 : i32
    %mul3A_0 = arith.muli %arg1, %mul3A : i32
    %add3A = arith.addi %mul3A_0, %arg0 : i32
    "tpu.region"() ({
      %run_scoped3A = tpu.sem_alloc : memref<!tpu.dma_semaphore, #tpu.memory_space<semaphore_mem>>
      tpu.enqueue_dma source(%arg8 : memref<768xf32, #tpu.memory_space<hbm>>) target(%arg17 : memref<768xf32, #tpu.memory_space<vmem>>) target_semaphore(%run_scoped3A : memref<!tpu.dma_semaphore, #tpu.memory_space<semaphore_mem>>)
      tpu.wait_dma2 semaphore(%run_scoped3A : memref<!tpu.dma_semaphore, #tpu.memory_space<semaphore_mem>>) src(%arg8 : memref<768xf32, #tpu.memory_space<hbm>>) dst(%arg17 : memref<768xf32, #tpu.memory_space<vmem>>)
      tpu.yield
    }) : () -> ()
    %mul3A_1 = arith.constant 8 : i32
    %mul3A_2 = arith.muli %add3A, %mul3A_1 : i32
    "tpu.region"() ({
      %run_scoped3A = tpu.sem_alloc : memref<!tpu.dma_semaphore, #tpu.memory_space<semaphore_mem>>
      %dma_start3A_69 = arith.constant 0 : i32
      %dma_start3A_70 = arith.constant 0 : i32
      %dma_start3A_71 = tpu.memref_slice %arg5[%mul3A_2, %dma_start3A_69, %dma_start3A_70] : memref<256x32x36xi32, #tpu.memory_space<hbm>> -> memref<8x32x36xi32, #tpu.memory_space<hbm>>
      %dma_start3A_72 = arith.constant 0 : i32
      %dma_start3A_73 = arith.constant 0 : i32
      %dma_start3A_74 = tpu.memref_slice %arg5[%mul3A_2, %dma_start3A_72, %dma_start3A_73] : memref<256x32x36xi32, #tpu.memory_space<hbm>> -> memref<8x32x36xi32, #tpu.memory_space<hbm>>
      tpu.enqueue_dma source(%dma_start3A_74 : memref<8x32x36xi32, #tpu.memory_space<hbm>>) target(%arg10 : memref<8x32x36xi32, #tpu.memory_space<vmem>>) target_semaphore(%run_scoped3A : memref<!tpu.dma_semaphore, #tpu.memory_space<semaphore_mem>>)
      %dma_wait3A_75 = arith.constant 0 : i32
      %dma_wait3A_76 = arith.constant 0 : i32
      %dma_wait3A_77 = tpu.memref_slice %arg5[%mul3A_2, %dma_wait3A_75, %dma_wait3A_76] : memref<256x32x36xi32, #tpu.memory_space<hbm>> -> memref<8x32x36xi32, #tpu.memory_space<hbm>>
      %dma_wait3A_78 = arith.constant 0 : i32
      %dma_wait3A_79 = arith.constant 0 : i32
      %dma_wait3A_80 = tpu.memref_slice %arg5[%mul3A_2, %dma_wait3A_78, %dma_wait3A_79] : memref<256x32x36xi32, #tpu.memory_space<hbm>> -> memref<8x32x36xi32, #tpu.memory_space<hbm>>
      tpu.wait_dma2 semaphore(%run_scoped3A : memref<!tpu.dma_semaphore, #tpu.memory_space<semaphore_mem>>) src(%dma_wait3A_80 : memref<8x32x36xi32, #tpu.memory_space<hbm>>) dst(%arg10 : memref<8x32x36xi32, #tpu.memory_space<vmem>>)
      tpu.yield
    }) : () -> ()
    %mul3A_3 = arith.constant 8 : i32
    %mul3A_4 = arith.muli %add3A, %mul3A_3 : i32
    "tpu.region"() ({
      %run_scoped3A = tpu.sem_alloc : memref<!tpu.dma_semaphore, #tpu.memory_space<semaphore_mem>>
      %dma_start3A_69 = arith.constant 0 : i32
      %dma_start3A_70 = arith.constant 0 : i32
      %dma_start3A_71 = tpu.memref_slice %arg6[%mul3A_4, %dma_start3A_69, %dma_start3A_70] : memref<256x32x4xi32, #tpu.memory_space<hbm>> -> memref<8x32x4xi32, #tpu.memory_space<hbm>>
      %dma_start3A_72 = arith.constant 0 : i32
      %dma_start3A_73 = arith.constant 0 : i32
      %dma_start3A_74 = tpu.memref_slice %arg6[%mul3A_4, %dma_start3A_72, %dma_start3A_73] : memref<256x32x4xi32, #tpu.memory_space<hbm>> -> memref<8x32x4xi32, #tpu.memory_space<hbm>>
      tpu.enqueue_dma source(%dma_start3A_74 : memref<8x32x4xi32, #tpu.memory_space<hbm>>) target(%arg11 : memref<8x32x4xi32, #tpu.memory_space<vmem>>) target_semaphore(%run_scoped3A : memref<!tpu.dma_semaphore, #tpu.memory_space<semaphore_mem>>)
      %dma_wait3A_75 = arith.constant 0 : i32
      %dma_wait3A_76 = arith.constant 0 : i32
      %dma_wait3A_77 = tpu.memref_slice %arg6[%mul3A_4, %dma_wait3A_75, %dma_wait3A_76] : memref<256x32x4xi32, #tpu.memory_space<hbm>> -> memref<8x32x4xi32, #tpu.memory_space<hbm>>
      %dma_wait3A_78 = arith.constant 0 : i32
      %dma_wait3A_79 = arith.constant 0 : i32
      %dma_wait3A_80 = tpu.memref_slice %arg6[%mul3A_4, %dma_wait3A_78, %dma_wait3A_79] : memref<256x32x4xi32, #tpu.memory_space<hbm>> -> memref<8x32x4xi32, #tpu.memory_space<hbm>>
      tpu.wait_dma2 semaphore(%run_scoped3A : memref<!tpu.dma_semaphore, #tpu.memory_space<semaphore_mem>>) src(%dma_wait3A_80 : memref<8x32x4xi32, #tpu.memory_space<hbm>>) dst(%arg11 : memref<8x32x4xi32, #tpu.memory_space<vmem>>)
      tpu.yield
    }) : () -> ()
    %mul3A_5 = arith.constant 8 : i32
    %mul3A_6 = arith.muli %add3A, %mul3A_5 : i32
    "tpu.region"() ({
      %run_scoped3A = tpu.sem_alloc : memref<!tpu.dma_semaphore, #tpu.memory_space<semaphore_mem>>
      %dma_start3A_69 = arith.constant 0 : i32
      %dma_start3A_70 = arith.constant 0 : i32
      %dma_start3A_71 = tpu.memref_slice %arg7[%mul3A_6, %dma_start3A_69, %dma_start3A_70] : memref<256x32x4xi32, #tpu.memory_space<hbm>> -> memref<8x32x4xi32, #tpu.memory_space<hbm>>
      %dma_start3A_72 = arith.constant 0 : i32
      %dma_start3A_73 = arith.constant 0 : i32
      %dma_start3A_74 = tpu.memref_slice %arg7[%mul3A_6, %dma_start3A_72, %dma_start3A_73] : memref<256x32x4xi32, #tpu.memory_space<hbm>> -> memref<8x32x4xi32, #tpu.memory_space<hbm>>
      tpu.enqueue_dma source(%dma_start3A_74 : memref<8x32x4xi32, #tpu.memory_space<hbm>>) target(%arg12 : memref<8x32x4xi32, #tpu.memory_space<vmem>>) target_semaphore(%run_scoped3A : memref<!tpu.dma_semaphore, #tpu.memory_space<semaphore_mem>>)
      %dma_wait3A_75 = arith.constant 0 : i32
      %dma_wait3A_76 = arith.constant 0 : i32
      %dma_wait3A_77 = tpu.memref_slice %arg7[%mul3A_6, %dma_wait3A_75, %dma_wait3A_76] : memref<256x32x4xi32, #tpu.memory_space<hbm>> -> memref<8x32x4xi32, #tpu.memory_space<hbm>>
      %dma_wait3A_78 = arith.constant 0 : i32
      %dma_wait3A_79 = arith.constant 0 : i32
      %dma_wait3A_80 = tpu.memref_slice %arg7[%mul3A_6, %dma_wait3A_78, %dma_wait3A_79] : memref<256x32x4xi32, #tpu.memory_space<hbm>> -> memref<8x32x4xi32, #tpu.memory_space<hbm>>
      tpu.wait_dma2 semaphore(%run_scoped3A : memref<!tpu.dma_semaphore, #tpu.memory_space<semaphore_mem>>) src(%dma_wait3A_80 : memref<8x32x4xi32, #tpu.memory_space<hbm>>) dst(%arg12 : memref<8x32x4xi32, #tpu.memory_space<vmem>>)
      tpu.yield
    }) : () -> ()
    %scan3A = arith.constant 0 : i32
    %scan3A_7 = arith.constant 0 : i32
    %scan3A_8 = arith.constant 8 : i32
    %scan3A_9 = arith.addi %scan3A_7, %scan3A_8 : i32
    %scan3A_10 = arith.constant 1 : i32
    scf.for %scan3A_69 = %scan3A_7 to %scan3A_9 step %scan3A_10  : i32 {
      %mul3A_70 = arith.constant 8 : i32
      %mul3A_71 = arith.muli %add3A, %mul3A_70 : i32
      %add3A_72 = arith.addi %mul3A_71, %scan3A_69 : i32
      %mul3A_73 = arith.constant 129 : i32
      %mul3A_74 = arith.muli %add3A_72, %mul3A_73 : i32
      %mul3A_75 = arith.constant 768 : i32
      %mul3A_76 = arith.muli %mul3A_74, %mul3A_75 : i32
      "tpu.region"() ({
        %run_scoped3A = tpu.sem_alloc : memref<!tpu.dma_semaphore, #tpu.memory_space<semaphore_mem>>
        %dma_start3A_77 = tpu.memref_slice %arg9[%mul3A_76] : memref<25362432xf32, #tpu.memory_space<hbm>> -> memref<768xf32, #tpu.memory_space<hbm>>
        %dma_start3A_78 = tpu.memref_slice %arg9[%mul3A_76] : memref<25362432xf32, #tpu.memory_space<hbm>> -> memref<768xf32, #tpu.memory_space<hbm>>
        tpu.enqueue_dma source(%arg17 : memref<768xf32, #tpu.memory_space<vmem>>) target(%dma_start3A_78 : memref<768xf32, #tpu.memory_space<hbm>>) target_semaphore(%run_scoped3A : memref<!tpu.dma_semaphore, #tpu.memory_space<semaphore_mem>>)
        %dma_wait3A_79 = tpu.memref_slice %arg9[%mul3A_76] : memref<25362432xf32, #tpu.memory_space<hbm>> -> memref<768xf32, #tpu.memory_space<hbm>>
        %dma_wait3A_80 = tpu.memref_slice %arg9[%mul3A_76] : memref<25362432xf32, #tpu.memory_space<hbm>> -> memref<768xf32, #tpu.memory_space<hbm>>
        tpu.wait_dma2 semaphore(%run_scoped3A : memref<!tpu.dma_semaphore, #tpu.memory_space<semaphore_mem>>) src(%arg17 : memref<768xf32, #tpu.memory_space<vmem>>) dst(%dma_wait3A_80 : memref<768xf32, #tpu.memory_space<hbm>>)
        tpu.yield
      }) : () -> ()
    }
    %scan3A_11 = arith.constant 8 : i32
    %dma_start3A = arith.constant 0 : i32
    %dma_start3A_12 = arith.constant 0 : i32
    %dma_start3A_13 = arith.constant 0 : i32
    %dma_start3A_14 = arith.constant 0 : i32
    %dma_start3A_15 = tpu.memref_slice %arg13[%dma_start3A_13, %dma_start3A_14] : memref<44x768xf32, #tpu.memory_space<vmem>> -> memref<36x768xf32, #tpu.memory_space<vmem>>
    %dma_start3A_16 = arith.constant 0 : i32
    %dma_start3A_17 = arith.constant 0 : i32
    %dma_start3A_18 = tpu.memref_slice %arg10[%dma_start3A, %dma_start3A_16, %dma_start3A_17] : memref<8x32x36xi32, #tpu.memory_space<vmem>> -> memref<1x32x36xi32, #tpu.memory_space<vmem>>
    %dma_start3A_19 = tpu.memref_squeeze %dma_start3A_18 : memref<1x32x36xi32, #tpu.memory_space<vmem>> -> memref<32x36xi32, #tpu.memory_space<vmem>>
    %dma_start3A_20 = arith.constant 0 : i32
    %dma_start3A_21 = tpu.memref_slice %dma_start3A_19[%dma_start3A_12, %dma_start3A_20] : memref<32x36xi32, #tpu.memory_space<vmem>> -> memref<1x36xi32, #tpu.memory_space<vmem>>
    %dma_start3A_22 = tpu.memref_squeeze %dma_start3A_21 : memref<1x36xi32, #tpu.memory_space<vmem>> -> memref<36xi32, #tpu.memory_space<vmem>>
    %dma_start3A_23 = arith.constant 0 : i32
    %dma_start3A_24 = arith.constant 0 : i32
    %dma_start3A_25 = tpu.memref_slice %arg2[%dma_start3A_23, %dma_start3A_24] : memref<4609x768xf32, #tpu.memory_space<hbm>> -> memref<4609x768xf32, #tpu.memory_space<hbm>>
    tpu.enqueue_indirect_dma source(%dma_start3A_25 : memref<4609x768xf32, #tpu.memory_space<hbm>>) target(%dma_start3A_15 : memref<36x768xf32, #tpu.memory_space<vmem>>) offsets(%dma_start3A_22 : memref<36xi32, #tpu.memory_space<vmem>>) semaphore(%arg18 : memref<!tpu.dma_semaphore, #tpu.memory_space<semaphore_mem>>)
    %dma_start3A_26 = arith.constant 0 : i32
    %dma_start3A_27 = arith.constant 0 : i32
    %dma_start3A_28 = arith.constant 36 : i32
    %dma_start3A_29 = arith.constant 0 : i32
    %dma_start3A_30 = tpu.memref_slice %arg13[%dma_start3A_28, %dma_start3A_29] : memref<44x768xf32, #tpu.memory_space<vmem>> -> memref<4x768xf32, #tpu.memory_space<vmem>>
    %dma_start3A_31 = arith.constant 0 : i32
    %dma_start3A_32 = arith.constant 0 : i32
    %dma_start3A_33 = tpu.memref_slice %arg11[%dma_start3A_26, %dma_start3A_31, %dma_start3A_32] : memref<8x32x4xi32, #tpu.memory_space<vmem>> -> memref<1x32x4xi32, #tpu.memory_space<vmem>>
    %dma_start3A_34 = tpu.memref_squeeze %dma_start3A_33 : memref<1x32x4xi32, #tpu.memory_space<vmem>> -> memref<32x4xi32, #tpu.memory_space<vmem>>
    %dma_start3A_35 = arith.constant 0 : i32
    %dma_start3A_36 = tpu.memref_slice %dma_start3A_34[%dma_start3A_27, %dma_start3A_35] : memref<32x4xi32, #tpu.memory_space<vmem>> -> memref<1x4xi32, #tpu.memory_space<vmem>>
    %dma_start3A_37 = tpu.memref_squeeze %dma_start3A_36 : memref<1x4xi32, #tpu.memory_space<vmem>> -> memref<4xi32, #tpu.memory_space<vmem>>
    %dma_start3A_38 = arith.constant 0 : i32
    %dma_start3A_39 = arith.constant 0 : i32
    %dma_start3A_40 = tpu.memref_slice %arg3[%dma_start3A_38, %dma_start3A_39] : memref<512x768xf32, #tpu.memory_space<hbm>> -> memref<512x768xf32, #tpu.memory_space<hbm>>
    tpu.enqueue_indirect_dma source(%dma_start3A_40 : memref<512x768xf32, #tpu.memory_space<hbm>>) target(%dma_start3A_30 : memref<4x768xf32, #tpu.memory_space<vmem>>) offsets(%dma_start3A_37 : memref<4xi32, #tpu.memory_space<vmem>>) semaphore(%arg18 : memref<!tpu.dma_semaphore, #tpu.memory_space<semaphore_mem>>)
    %dma_start3A_41 = arith.constant 0 : i32
    %dma_start3A_42 = arith.constant 0 : i32
    %dma_start3A_43 = arith.constant 40 : i32
    %dma_start3A_44 = arith.constant 0 : i32
    %dma_start3A_45 = tpu.memref_slice %arg13[%dma_start3A_43, %dma_start3A_44] : memref<44x768xf32, #tpu.memory_space<vmem>> -> memref<4x768xf32, #tpu.memory_space<vmem>>
    %dma_start3A_46 = arith.constant 0 : i32
    %dma_start3A_47 = arith.constant 0 : i32
    %dma_start3A_48 = tpu.memref_slice %arg12[%dma_start3A_41, %dma_start3A_46, %dma_start3A_47] : memref<8x32x4xi32, #tpu.memory_space<vmem>> -> memref<1x32x4xi32, #tpu.memory_space<vmem>>
    %dma_start3A_49 = tpu.memref_squeeze %dma_start3A_48 : memref<1x32x4xi32, #tpu.memory_space<vmem>> -> memref<32x4xi32, #tpu.memory_space<vmem>>
    %dma_start3A_50 = arith.constant 0 : i32
    %dma_start3A_51 = tpu.memref_slice %dma_start3A_49[%dma_start3A_42, %dma_start3A_50] : memref<32x4xi32, #tpu.memory_space<vmem>> -> memref<1x4xi32, #tpu.memory_space<vmem>>
    %dma_start3A_52 = tpu.memref_squeeze %dma_start3A_51 : memref<1x4xi32, #tpu.memory_space<vmem>> -> memref<4xi32, #tpu.memory_space<vmem>>
    %dma_start3A_53 = arith.constant 0 : i32
    %dma_start3A_54 = arith.constant 0 : i32
    %dma_start3A_55 = tpu.memref_slice %arg4[%dma_start3A_53, %dma_start3A_54] : memref<512x768xf32, #tpu.memory_space<hbm>> -> memref<512x768xf32, #tpu.memory_space<hbm>>
    tpu.enqueue_indirect_dma source(%dma_start3A_55 : memref<512x768xf32, #tpu.memory_space<hbm>>) target(%dma_start3A_45 : memref<4x768xf32, #tpu.memory_space<vmem>>) offsets(%dma_start3A_52 : memref<4xi32, #tpu.memory_space<vmem>>) semaphore(%arg18 : memref<!tpu.dma_semaphore, #tpu.memory_space<semaphore_mem>>)
    %scan3A_56 = arith.constant 0 : i32
    %scan3A_57 = arith.constant 0 : i32
    %scan3A_58 = arith.constant 128 : i32
    %scan3A_59 = arith.addi %scan3A_57, %scan3A_58 : i32
    %scan3A_60 = arith.constant 1 : i32
    scf.for %scan3A_69 = %scan3A_57 to %scan3A_59 step %scan3A_60  : i32 {
      %mul3A_70 = arith.constant 2 : i32
      %mul3A_71 = arith.muli %mul3A_70, %scan3A_69 : i32
      %add3A_72 = arith.constant 0 : i32
      %add3A_73 = arith.addi %mul3A_71, %add3A_72 : i32
      %add3A_74 = arith.constant 2 : i32
      %add3A_75 = arith.addi %add3A_73, %add3A_74 : i32
      %sub3A = arith.constant 1 : i32
      %sub3A_76 = arith.subi %add3A_75, %sub3A : i32
      %lt3A = arith.constant 256 : i32
      %lt3A_77 = arith.cmpi slt, %sub3A_76, %lt3A : i32
      %convert_element_type3A = arith.extui %lt3A_77 : i1 to i32
      %cond3A = arith.constant 0 : i32
      %cond3A_78 = arith.cmpi ne, %convert_element_type3A, %cond3A : i32
      scf.if %cond3A_78 {
        %add3A_303 = arith.constant 2 : i32
        %add3A_304 = arith.addi %add3A_73, %add3A_303 : i32
        %sub3A_305 = arith.constant 1 : i32
        %sub3A_306 = arith.subi %add3A_304, %sub3A_305 : i32
        %jit3A_307 = arith.constant 32 : i32
        %div3A_308 = arith.divsi %sub3A_306, %jit3A_307 : i32
        %sign3A_309 = arith.constant 0 : i32
        %sign3A_310 = arith.cmpi sgt, %sub3A_306, %sign3A_309 : i32
        %sign3A_311 = arith.extui %sign3A_310 : i1 to i32
        %sign3A_312 = arith.constant 0 : i32
        %sign3A_313 = arith.cmpi slt, %sub3A_306, %sign3A_312 : i32
        %sign3A_314 = arith.extui %sign3A_313 : i1 to i32
        %sign3A_315 = arith.subi %sign3A_311, %sign3A_314 : i32
        %sign3A_316 = arith.constant 0 : i32
        %sign3A_317 = arith.cmpi sgt, %jit3A_307, %sign3A_316 : i32
        %sign3A_318 = arith.extui %sign3A_317 : i1 to i32
        %sign3A_319 = arith.constant 0 : i32
        %sign3A_320 = arith.cmpi slt, %jit3A_307, %sign3A_319 : i32
        %sign3A_321 = arith.extui %sign3A_320 : i1 to i32
        %sign3A_322 = arith.subi %sign3A_318, %sign3A_321 : i32
        %ne3A_323 = arith.cmpi ne, %sign3A_315, %sign3A_322 : i32
        %rem3A_324 = arith.remsi %sub3A_306, %jit3A_307 : i32
        %ne3A_325 = arith.constant 0 : i32
        %ne3A_326 = arith.cmpi ne, %rem3A_324, %ne3A_325 : i32
        %and3A_327 = arith.andi %ne3A_323, %ne3A_326 : i1
        %sub3A_328 = arith.constant 1 : i32
        %sub3A_329 = arith.subi %div3A_308, %sub3A_328 : i32
        %select_n3A_330 = arith.select %and3A_327, %sub3A_329, %div3A_308 : i32
        %jit3A_331 = arith.constant 32 : i32
        %eq3A_332 = arith.constant 0 : i32
        %eq3A_333 = arith.cmpi eq, %jit3A_331, %eq3A_332 : i32
        %jit3A_334 = arith.constant 1 : i32
        %select_n3A_335 = arith.select %eq3A_333, %jit3A_334, %jit3A_331 : i32
        %rem3A_336 = arith.remsi %sub3A_306, %select_n3A_335 : i32
        %ne3A_337 = arith.constant 0 : i32
        %ne3A_338 = arith.cmpi ne, %rem3A_336, %ne3A_337 : i32
        %lt3A_339 = arith.constant 0 : i32
        %lt3A_340 = arith.cmpi slt, %rem3A_336, %lt3A_339 : i32
        %lt3A_341 = arith.constant 0 : i32
        %lt3A_342 = arith.cmpi slt, %select_n3A_335, %lt3A_341 : i32
        %ne3A_343 = arith.xori %lt3A_340, %lt3A_342 : i1
        %and3A_344 = arith.andi %ne3A_343, %ne3A_338 : i1
        %add3A_345 = arith.addi %rem3A_336, %select_n3A_335 : i32
        %select_n3A_346 = arith.select %and3A_344, %add3A_345, %rem3A_336 : i32
        %dma_start3A_347 = arith.constant 0 : i32
        %dma_start3A_348 = arith.constant 0 : i32
        %dma_start3A_349 = tpu.memref_slice %arg14[%dma_start3A_347, %dma_start3A_348] : memref<44x768xf32, #tpu.memory_space<vmem>> -> memref<36x768xf32, #tpu.memory_space<vmem>>
        %dma_start3A_350 = arith.constant 0 : i32
        %dma_start3A_351 = arith.constant 0 : i32
        %dma_start3A_352 = tpu.memref_slice %arg10[%select_n3A_330, %dma_start3A_350, %dma_start3A_351] : memref<8x32x36xi32, #tpu.memory_space<vmem>> -> memref<1x32x36xi32, #tpu.memory_space<vmem>>
        %dma_start3A_353 = tpu.memref_squeeze %dma_start3A_352 : memref<1x32x36xi32, #tpu.memory_space<vmem>> -> memref<32x36xi32, #tpu.memory_space<vmem>>
        %dma_start3A_354 = arith.constant 0 : i32
        %dma_start3A_355 = tpu.memref_slice %dma_start3A_353[%select_n3A_346, %dma_start3A_354] : memref<32x36xi32, #tpu.memory_space<vmem>> -> memref<1x36xi32, #tpu.memory_space<vmem>>
        %dma_start3A_356 = tpu.memref_squeeze %dma_start3A_355 : memref<1x36xi32, #tpu.memory_space<vmem>> -> memref<36xi32, #tpu.memory_space<vmem>>
        %dma_start3A_357 = arith.constant 0 : i32
        %dma_start3A_358 = arith.constant 0 : i32
        %dma_start3A_359 = tpu.memref_slice %arg2[%dma_start3A_357, %dma_start3A_358] : memref<4609x768xf32, #tpu.memory_space<hbm>> -> memref<4609x768xf32, #tpu.memory_space<hbm>>
        tpu.enqueue_indirect_dma source(%dma_start3A_359 : memref<4609x768xf32, #tpu.memory_space<hbm>>) target(%dma_start3A_349 : memref<36x768xf32, #tpu.memory_space<vmem>>) offsets(%dma_start3A_356 : memref<36xi32, #tpu.memory_space<vmem>>) semaphore(%arg19 : memref<!tpu.dma_semaphore, #tpu.memory_space<semaphore_mem>>)
        %dma_start3A_360 = arith.constant 36 : i32
        %dma_start3A_361 = arith.constant 0 : i32
        %dma_start3A_362 = tpu.memref_slice %arg14[%dma_start3A_360, %dma_start3A_361] : memref<44x768xf32, #tpu.memory_space<vmem>> -> memref<4x768xf32, #tpu.memory_space<vmem>>
        %dma_start3A_363 = arith.constant 0 : i32
        %dma_start3A_364 = arith.constant 0 : i32
        %dma_start3A_365 = tpu.memref_slice %arg11[%select_n3A_330, %dma_start3A_363, %dma_start3A_364] : memref<8x32x4xi32, #tpu.memory_space<vmem>> -> memref<1x32x4xi32, #tpu.memory_space<vmem>>
        %dma_start3A_366 = tpu.memref_squeeze %dma_start3A_365 : memref<1x32x4xi32, #tpu.memory_space<vmem>> -> memref<32x4xi32, #tpu.memory_space<vmem>>
        %dma_start3A_367 = arith.constant 0 : i32
        %dma_start3A_368 = tpu.memref_slice %dma_start3A_366[%select_n3A_346, %dma_start3A_367] : memref<32x4xi32, #tpu.memory_space<vmem>> -> memref<1x4xi32, #tpu.memory_space<vmem>>
        %dma_start3A_369 = tpu.memref_squeeze %dma_start3A_368 : memref<1x4xi32, #tpu.memory_space<vmem>> -> memref<4xi32, #tpu.memory_space<vmem>>
        %dma_start3A_370 = arith.constant 0 : i32
        %dma_start3A_371 = arith.constant 0 : i32
        %dma_start3A_372 = tpu.memref_slice %arg3[%dma_start3A_370, %dma_start3A_371] : memref<512x768xf32, #tpu.memory_space<hbm>> -> memref<512x768xf32, #tpu.memory_space<hbm>>
        tpu.enqueue_indirect_dma source(%dma_start3A_372 : memref<512x768xf32, #tpu.memory_space<hbm>>) target(%dma_start3A_362 : memref<4x768xf32, #tpu.memory_space<vmem>>) offsets(%dma_start3A_369 : memref<4xi32, #tpu.memory_space<vmem>>) semaphore(%arg19 : memref<!tpu.dma_semaphore, #tpu.memory_space<semaphore_mem>>)
        %dma_start3A_373 = arith.constant 40 : i32
        %dma_start3A_374 = arith.constant 0 : i32
        %dma_start3A_375 = tpu.memref_slice %arg14[%dma_start3A_373, %dma_start3A_374] : memref<44x768xf32, #tpu.memory_space<vmem>> -> memref<4x768xf32, #tpu.memory_space<vmem>>
        %dma_start3A_376 = arith.constant 0 : i32
        %dma_start3A_377 = arith.constant 0 : i32
        %dma_start3A_378 = tpu.memref_slice %arg12[%select_n3A_330, %dma_start3A_376, %dma_start3A_377] : memref<8x32x4xi32, #tpu.memory_space<vmem>> -> memref<1x32x4xi32, #tpu.memory_space<vmem>>
        %dma_start3A_379 = tpu.memref_squeeze %dma_start3A_378 : memref<1x32x4xi32, #tpu.memory_space<vmem>> -> memref<32x4xi32, #tpu.memory_space<vmem>>
        %dma_start3A_380 = arith.constant 0 : i32
        %dma_start3A_381 = tpu.memref_slice %dma_start3A_379[%select_n3A_346, %dma_start3A_380] : memref<32x4xi32, #tpu.memory_space<vmem>> -> memref<1x4xi32, #tpu.memory_space<vmem>>
        %dma_start3A_382 = tpu.memref_squeeze %dma_start3A_381 : memref<1x4xi32, #tpu.memory_space<vmem>> -> memref<4xi32, #tpu.memory_space<vmem>>
        %dma_start3A_383 = arith.constant 0 : i32
        %dma_start3A_384 = arith.constant 0 : i32
        %dma_start3A_385 = tpu.memref_slice %arg4[%dma_start3A_383, %dma_start3A_384] : memref<512x768xf32, #tpu.memory_space<hbm>> -> memref<512x768xf32, #tpu.memory_space<hbm>>
        tpu.enqueue_indirect_dma source(%dma_start3A_385 : memref<512x768xf32, #tpu.memory_space<hbm>>) target(%dma_start3A_375 : memref<4x768xf32, #tpu.memory_space<vmem>>) offsets(%dma_start3A_382 : memref<4xi32, #tpu.memory_space<vmem>>) semaphore(%arg19 : memref<!tpu.dma_semaphore, #tpu.memory_space<semaphore_mem>>)
      } else {
      }
      %dma_wait3A_79 = arith.constant 0 : i32
      %dma_wait3A_80 = arith.constant 0 : i32
      %dma_wait3A_81 = arith.constant 0 : i32
      %dma_wait3A_82 = arith.constant 0 : i32
      %dma_wait3A_83 = tpu.memref_slice %arg13[%dma_wait3A_81, %dma_wait3A_82] : memref<44x768xf32, #tpu.memory_space<vmem>> -> memref<36x768xf32, #tpu.memory_space<vmem>>
      %dma_wait3A_84 = arith.constant 0 : i32
      %dma_wait3A_85 = arith.constant 0 : i32
      %dma_wait3A_86 = tpu.memref_slice %arg10[%dma_wait3A_79, %dma_wait3A_84, %dma_wait3A_85] : memref<8x32x36xi32, #tpu.memory_space<vmem>> -> memref<1x32x36xi32, #tpu.memory_space<vmem>>
      %dma_wait3A_87 = tpu.memref_squeeze %dma_wait3A_86 : memref<1x32x36xi32, #tpu.memory_space<vmem>> -> memref<32x36xi32, #tpu.memory_space<vmem>>
      %dma_wait3A_88 = arith.constant 0 : i32
      %dma_wait3A_89 = tpu.memref_slice %dma_wait3A_87[%dma_wait3A_80, %dma_wait3A_88] : memref<32x36xi32, #tpu.memory_space<vmem>> -> memref<1x36xi32, #tpu.memory_space<vmem>>
      %dma_wait3A_90 = tpu.memref_squeeze %dma_wait3A_89 : memref<1x36xi32, #tpu.memory_space<vmem>> -> memref<36xi32, #tpu.memory_space<vmem>>
      %dma_wait3A_91 = arith.constant 0 : i32
      %dma_wait3A_92 = arith.constant 0 : i32
      %dma_wait3A_93 = tpu.memref_slice %arg2[%dma_wait3A_91, %dma_wait3A_92] : memref<4609x768xf32, #tpu.memory_space<hbm>> -> memref<4609x768xf32, #tpu.memory_space<hbm>>
      tpu.wait_indirect_dma semaphore(%arg18 : memref<!tpu.dma_semaphore, #tpu.memory_space<semaphore_mem>>) src(%dma_wait3A_93 : memref<4609x768xf32, #tpu.memory_space<hbm>>) dst(%dma_wait3A_83 : memref<36x768xf32, #tpu.memory_space<vmem>>)
      %dma_wait3A_94 = arith.constant 0 : i32
      %dma_wait3A_95 = arith.constant 0 : i32
      %dma_wait3A_96 = arith.constant 36 : i32
      %dma_wait3A_97 = arith.constant 0 : i32
      %dma_wait3A_98 = tpu.memref_slice %arg13[%dma_wait3A_96, %dma_wait3A_97] : memref<44x768xf32, #tpu.memory_space<vmem>> -> memref<4x768xf32, #tpu.memory_space<vmem>>
      %dma_wait3A_99 = arith.constant 0 : i32
      %dma_wait3A_100 = arith.constant 0 : i32
      %dma_wait3A_101 = tpu.memref_slice %arg11[%dma_wait3A_94, %dma_wait3A_99, %dma_wait3A_100] : memref<8x32x4xi32, #tpu.memory_space<vmem>> -> memref<1x32x4xi32, #tpu.memory_space<vmem>>
      %dma_wait3A_102 = tpu.memref_squeeze %dma_wait3A_101 : memref<1x32x4xi32, #tpu.memory_space<vmem>> -> memref<32x4xi32, #tpu.memory_space<vmem>>
      %dma_wait3A_103 = arith.constant 0 : i32
      %dma_wait3A_104 = tpu.memref_slice %dma_wait3A_102[%dma_wait3A_95, %dma_wait3A_103] : memref<32x4xi32, #tpu.memory_space<vmem>> -> memref<1x4xi32, #tpu.memory_space<vmem>>
      %dma_wait3A_105 = tpu.memref_squeeze %dma_wait3A_104 : memref<1x4xi32, #tpu.memory_space<vmem>> -> memref<4xi32, #tpu.memory_space<vmem>>
      %dma_wait3A_106 = arith.constant 0 : i32
      %dma_wait3A_107 = arith.constant 0 : i32
      %dma_wait3A_108 = tpu.memref_slice %arg3[%dma_wait3A_106, %dma_wait3A_107] : memref<512x768xf32, #tpu.memory_space<hbm>> -> memref<512x768xf32, #tpu.memory_space<hbm>>
      tpu.wait_indirect_dma semaphore(%arg18 : memref<!tpu.dma_semaphore, #tpu.memory_space<semaphore_mem>>) src(%dma_wait3A_108 : memref<512x768xf32, #tpu.memory_space<hbm>>) dst(%dma_wait3A_98 : memref<4x768xf32, #tpu.memory_space<vmem>>)
      %dma_wait3A_109 = arith.constant 0 : i32
      %dma_wait3A_110 = arith.constant 0 : i32
      %dma_wait3A_111 = arith.constant 40 : i32
      %dma_wait3A_112 = arith.constant 0 : i32
      %dma_wait3A_113 = tpu.memref_slice %arg13[%dma_wait3A_111, %dma_wait3A_112] : memref<44x768xf32, #tpu.memory_space<vmem>> -> memref<4x768xf32, #tpu.memory_space<vmem>>
      %dma_wait3A_114 = arith.constant 0 : i32
      %dma_wait3A_115 = arith.constant 0 : i32
      %dma_wait3A_116 = tpu.memref_slice %arg12[%dma_wait3A_109, %dma_wait3A_114, %dma_wait3A_115] : memref<8x32x4xi32, #tpu.memory_space<vmem>> -> memref<1x32x4xi32, #tpu.memory_space<vmem>>
      %dma_wait3A_117 = tpu.memref_squeeze %dma_wait3A_116 : memref<1x32x4xi32, #tpu.memory_space<vmem>> -> memref<32x4xi32, #tpu.memory_space<vmem>>
      %dma_wait3A_118 = arith.constant 0 : i32
      %dma_wait3A_119 = tpu.memref_slice %dma_wait3A_117[%dma_wait3A_110, %dma_wait3A_118] : memref<32x4xi32, #tpu.memory_space<vmem>> -> memref<1x4xi32, #tpu.memory_space<vmem>>
      %dma_wait3A_120 = tpu.memref_squeeze %dma_wait3A_119 : memref<1x4xi32, #tpu.memory_space<vmem>> -> memref<4xi32, #tpu.memory_space<vmem>>
      %dma_wait3A_121 = arith.constant 0 : i32
      %dma_wait3A_122 = arith.constant 0 : i32
      %dma_wait3A_123 = tpu.memref_slice %arg4[%dma_wait3A_121, %dma_wait3A_122] : memref<512x768xf32, #tpu.memory_space<hbm>> -> memref<512x768xf32, #tpu.memory_space<hbm>>
      tpu.wait_indirect_dma semaphore(%arg18 : memref<!tpu.dma_semaphore, #tpu.memory_space<semaphore_mem>>) src(%dma_wait3A_123 : memref<512x768xf32, #tpu.memory_space<hbm>>) dst(%dma_wait3A_113 : memref<4x768xf32, #tpu.memory_space<vmem>>)
      %gt3A = arith.constant 0 : i32
      %gt3A_124 = arith.cmpi sgt, %scan3A_69, %gt3A : i32
      %convert_element_type3A_125 = arith.extui %gt3A_124 : i1 to i32
      %cond3A_126 = arith.constant 0 : i32
      %cond3A_127 = arith.cmpi ne, %convert_element_type3A_125, %cond3A_126 : i32
      scf.if %cond3A_127 {
        %dma_wait3A_303 = arith.constant 0 : i32
        %dma_wait3A_304 = tpu.memref_slice %arg9[%dma_wait3A_303] : memref<25362432xf32, #tpu.memory_space<hbm>> -> memref<3072xf32, #tpu.memory_space<hbm>>
        %dma_wait3A_305 = arith.constant 0 : i32
        %dma_wait3A_306 = tpu.memref_slice %arg9[%dma_wait3A_305] : memref<25362432xf32, #tpu.memory_space<hbm>> -> memref<3072xf32, #tpu.memory_space<hbm>>
        tpu.wait_dma2 semaphore(%arg20 : memref<!tpu.dma_semaphore, #tpu.memory_space<semaphore_mem>>) src(%arg15 : memref<3072xf32, #tpu.memory_space<vmem>>) dst(%dma_wait3A_306 : memref<3072xf32, #tpu.memory_space<hbm>>)
      } else {
      }
      %scan3A_128 = arith.constant 0 : i32
      %scan3A_129 = arith.constant 0 : i32
      %scan3A_130 = arith.constant 48 : i32
      %scan3A_131 = arith.addi %scan3A_129, %scan3A_130 : i32
      %scan3A_132 = arith.constant 1 : i32
      scf.for %scan3A_303 = %scan3A_129 to %scan3A_131 step %scan3A_132  : i32 {
        %mul3A_304 = arith.constant 16 : i32
        %mul3A_305 = arith.muli %scan3A_303, %mul3A_304 : i32
        %get3A = arith.constant 0 : i32
        %get3A_306 = arith.index_cast %get3A : i32 to index
        %get3A_307 = arith.index_cast %mul3A_305 : i32 to index
        %get3A_308 = tpu.vector_load %arg13[%get3A_306, %get3A_307] {strides = array<i32>} : memref<44x768xf32, #tpu.memory_space<vmem>>, vector<16xf32>,
        %get3A_309 = arith.constant 1 : i32
        %get3A_310 = arith.index_cast %get3A_309 : i32 to index
        %get3A_311 = arith.index_cast %mul3A_305 : i32 to index
        %get3A_312 = tpu.vector_load %arg13[%get3A_310, %get3A_311] {strides = array<i32>} : memref<44x768xf32, #tpu.memory_space<vmem>>, vector<16xf32>,
        %add3A_313 = arith.addf %get3A_308, %get3A_312 : vector<16xf32>
        %get3A_314 = arith.constant 2 : i32
        %get3A_315 = arith.index_cast %get3A_314 : i32 to index
        %get3A_316 = arith.index_cast %mul3A_305 : i32 to index
        %get3A_317 = tpu.vector_load %arg13[%get3A_315, %get3A_316] {strides = array<i32>} : memref<44x768xf32, #tpu.memory_space<vmem>>, vector<16xf32>,
        %add3A_318 = arith.addf %add3A_313, %get3A_317 : vector<16xf32>
        %get3A_319 = arith.constant 3 : i32
        %get3A_320 = arith.index_cast %get3A_319 : i32 to index
        %get3A_321 = arith.index_cast %mul3A_305 : i32 to index
        %get3A_322 = tpu.vector_load %arg13[%get3A_320, %get3A_321] {strides = array<i32>} : memref<44x768xf32, #tpu.memory_space<vmem>>, vector<16xf32>,
        %add3A_323 = arith.addf %add3A_318, %get3A_322 : vector<16xf32>
        %get3A_324 = arith.constant 4 : i32
        %get3A_325 = arith.index_cast %get3A_324 : i32 to index
        %get3A_326 = arith.index_cast %mul3A_305 : i32 to index
        %get3A_327 = tpu.vector_load %arg13[%get3A_325, %get3A_326] {strides = array<i32>} : memref<44x768xf32, #tpu.memory_space<vmem>>, vector<16xf32>,
        %add3A_328 = arith.addf %add3A_323, %get3A_327 : vector<16xf32>
        %get3A_329 = arith.constant 5 : i32
        %get3A_330 = arith.index_cast %get3A_329 : i32 to index
        %get3A_331 = arith.index_cast %mul3A_305 : i32 to index
        %get3A_332 = tpu.vector_load %arg13[%get3A_330, %get3A_331] {strides = array<i32>} : memref<44x768xf32, #tpu.memory_space<vmem>>, vector<16xf32>,
        %add3A_333 = arith.addf %add3A_328, %get3A_332 : vector<16xf32>
        %get3A_334 = arith.constant 6 : i32
        %get3A_335 = arith.index_cast %get3A_334 : i32 to index
        %get3A_336 = arith.index_cast %mul3A_305 : i32 to index
        %get3A_337 = tpu.vector_load %arg13[%get3A_335, %get3A_336] {strides = array<i32>} : memref<44x768xf32, #tpu.memory_space<vmem>>, vector<16xf32>,
        %add3A_338 = arith.addf %add3A_333, %get3A_337 : vector<16xf32>
        %get3A_339 = arith.constant 7 : i32
        %get3A_340 = arith.index_cast %get3A_339 : i32 to index
        %get3A_341 = arith.index_cast %mul3A_305 : i32 to index
        %get3A_342 = tpu.vector_load %arg13[%get3A_340, %get3A_341] {strides = array<i32>} : memref<44x768xf32, #tpu.memory_space<vmem>>, vector<16xf32>,
        %add3A_343 = arith.addf %add3A_338, %get3A_342 : vector<16xf32>
        %get3A_344 = arith.constant 8 : i32
        %get3A_345 = arith.index_cast %get3A_344 : i32 to index
        %get3A_346 = arith.index_cast %mul3A_305 : i32 to index
        %get3A_347 = tpu.vector_load %arg13[%get3A_345, %get3A_346] {strides = array<i32>} : memref<44x768xf32, #tpu.memory_space<vmem>>, vector<16xf32>,
        %add3A_348 = arith.addf %add3A_343, %get3A_347 : vector<16xf32>
        %get3A_349 = arith.constant 36 : i32
        %get3A_350 = arith.index_cast %get3A_349 : i32 to index
        %get3A_351 = arith.index_cast %mul3A_305 : i32 to index
        %get3A_352 = tpu.vector_load %arg13[%get3A_350, %get3A_351] {strides = array<i32>} : memref<44x768xf32, #tpu.memory_space<vmem>>, vector<16xf32>,
        %add3A_353 = arith.addf %add3A_348, %get3A_352 : vector<16xf32>
        %get3A_354 = arith.constant 40 : i32
        %get3A_355 = arith.index_cast %get3A_354 : i32 to index
        %get3A_356 = arith.index_cast %mul3A_305 : i32 to index
        %get3A_357 = tpu.vector_load %arg13[%get3A_355, %get3A_356] {strides = array<i32>} : memref<44x768xf32, #tpu.memory_space<vmem>>, vector<16xf32>,
        %add3A_358 = arith.addf %add3A_353, %get3A_357 : vector<16xf32>
        %add3A_359 = arith.constant 0 : i32
        %add3A_360 = arith.addi %add3A_359, %mul3A_305 : i32
        %swap3A = arith.index_cast %add3A_360 : i32 to index
        %swap3A_361 = tpu.vector_load %arg15[%swap3A] {strides = array<i32>} : memref<3072xf32, #tpu.memory_space<vmem>>, vector<16xf32>,
        tpu.vector_store %arg15[%swap3A], %add3A_358 {strides = array<i32>} : memref<3072xf32, #tpu.memory_space<vmem>>, vector<16xf32>,
        %get3A_362 = arith.constant 9 : i32
        %get3A_363 = arith.index_cast %get3A_362 : i32 to index
        %get3A_364 = arith.index_cast %mul3A_305 : i32 to index
        %get3A_365 = tpu.vector_load %arg13[%get3A_363, %get3A_364] {strides = array<i32>} : memref<44x768xf32, #tpu.memory_space<vmem>>, vector<16xf32>,
        %get3A_366 = arith.constant 10 : i32
        %get3A_367 = arith.index_cast %get3A_366 : i32 to index
        %get3A_368 = arith.index_cast %mul3A_305 : i32 to index
        %get3A_369 = tpu.vector_load %arg13[%get3A_367, %get3A_368] {strides = array<i32>} : memref<44x768xf32, #tpu.memory_space<vmem>>, vector<16xf32>,
        %add3A_370 = arith.addf %get3A_365, %get3A_369 : vector<16xf32>
        %get3A_371 = arith.constant 11 : i32
        %get3A_372 = arith.index_cast %get3A_371 : i32 to index
        %get3A_373 = arith.index_cast %mul3A_305 : i32 to index
        %get3A_374 = tpu.vector_load %arg13[%get3A_372, %get3A_373] {strides = array<i32>} : memref<44x768xf32, #tpu.memory_space<vmem>>, vector<16xf32>,
        %add3A_375 = arith.addf %add3A_370, %get3A_374 : vector<16xf32>
        %get3A_376 = arith.constant 12 : i32
        %get3A_377 = arith.index_cast %get3A_376 : i32 to index
        %get3A_378 = arith.index_cast %mul3A_305 : i32 to index
        %get3A_379 = tpu.vector_load %arg13[%get3A_377, %get3A_378] {strides = array<i32>} : memref<44x768xf32, #tpu.memory_space<vmem>>, vector<16xf32>,
        %add3A_380 = arith.addf %add3A_375, %get3A_379 : vector<16xf32>
        %get3A_381 = arith.constant 13 : i32
        %get3A_382 = arith.index_cast %get3A_381 : i32 to index
        %get3A_383 = arith.index_cast %mul3A_305 : i32 to index
        %get3A_384 = tpu.vector_load %arg13[%get3A_382, %get3A_383] {strides = array<i32>} : memref<44x768xf32, #tpu.memory_space<vmem>>, vector<16xf32>,
        %add3A_385 = arith.addf %add3A_380, %get3A_384 : vector<16xf32>
        %get3A_386 = arith.constant 14 : i32
        %get3A_387 = arith.index_cast %get3A_386 : i32 to index
        %get3A_388 = arith.index_cast %mul3A_305 : i32 to index
        %get3A_389 = tpu.vector_load %arg13[%get3A_387, %get3A_388] {strides = array<i32>} : memref<44x768xf32, #tpu.memory_space<vmem>>, vector<16xf32>,
        %add3A_390 = arith.addf %add3A_385, %get3A_389 : vector<16xf32>
        %get3A_391 = arith.constant 15 : i32
        %get3A_392 = arith.index_cast %get3A_391 : i32 to index
        %get3A_393 = arith.index_cast %mul3A_305 : i32 to index
        %get3A_394 = tpu.vector_load %arg13[%get3A_392, %get3A_393] {strides = array<i32>} : memref<44x768xf32, #tpu.memory_space<vmem>>, vector<16xf32>,
        %add3A_395 = arith.addf %add3A_390, %get3A_394 : vector<16xf32>
        %get3A_396 = arith.constant 16 : i32
        %get3A_397 = arith.index_cast %get3A_396 : i32 to index
        %get3A_398 = arith.index_cast %mul3A_305 : i32 to index
        %get3A_399 = tpu.vector_load %arg13[%get3A_397, %get3A_398] {strides = array<i32>} : memref<44x768xf32, #tpu.memory_space<vmem>>, vector<16xf32>,
        %add3A_400 = arith.addf %add3A_395, %get3A_399 : vector<16xf32>
        %get3A_401 = arith.constant 17 : i32
        %get3A_402 = arith.index_cast %get3A_401 : i32 to index
        %get3A_403 = arith.index_cast %mul3A_305 : i32 to index
        %get3A_404 = tpu.vector_load %arg13[%get3A_402, %get3A_403] {strides = array<i32>} : memref<44x768xf32, #tpu.memory_space<vmem>>, vector<16xf32>,
        %add3A_405 = arith.addf %add3A_400, %get3A_404 : vector<16xf32>
        %get3A_406 = arith.constant 37 : i32
        %get3A_407 = arith.index_cast %get3A_406 : i32 to index
        %get3A_408 = arith.index_cast %mul3A_305 : i32 to index
        %get3A_409 = tpu.vector_load %arg13[%get3A_407, %get3A_408] {strides = array<i32>} : memref<44x768xf32, #tpu.memory_space<vmem>>, vector<16xf32>,
        %add3A_410 = arith.addf %add3A_405, %get3A_409 : vector<16xf32>
        %get3A_411 = arith.constant 41 : i32
        %get3A_412 = arith.index_cast %get3A_411 : i32 to index
        %get3A_413 = arith.index_cast %mul3A_305 : i32 to index
        %get3A_414 = tpu.vector_load %arg13[%get3A_412, %get3A_413] {strides = array<i32>} : memref<44x768xf32, #tpu.memory_space<vmem>>, vector<16xf32>,
        %add3A_415 = arith.addf %add3A_410, %get3A_414 : vector<16xf32>
        %add3A_416 = arith.constant 768 : i32
        %add3A_417 = arith.addi %add3A_416, %mul3A_305 : i32
        %swap3A_418 = arith.index_cast %add3A_417 : i32 to index
        %swap3A_419 = tpu.vector_load %arg15[%swap3A_418] {strides = array<i32>} : memref<3072xf32, #tpu.memory_space<vmem>>, vector<16xf32>,
        tpu.vector_store %arg15[%swap3A_418], %add3A_415 {strides = array<i32>} : memref<3072xf32, #tpu.memory_space<vmem>>, vector<16xf32>,
        %get3A_420 = arith.constant 18 : i32
        %get3A_421 = arith.index_cast %get3A_420 : i32 to index
        %get3A_422 = arith.index_cast %mul3A_305 : i32 to index
        %get3A_423 = tpu.vector_load %arg13[%get3A_421, %get3A_422] {strides = array<i32>} : memref<44x768xf32, #tpu.memory_space<vmem>>, vector<16xf32>,
        %get3A_424 = arith.constant 19 : i32
        %get3A_425 = arith.index_cast %get3A_424 : i32 to index
        %get3A_426 = arith.index_cast %mul3A_305 : i32 to index
        %get3A_427 = tpu.vector_load %arg13[%get3A_425, %get3A_426] {strides = array<i32>} : memref<44x768xf32, #tpu.memory_space<vmem>>, vector<16xf32>,
        %add3A_428 = arith.addf %get3A_423, %get3A_427 : vector<16xf32>
        %get3A_429 = arith.constant 20 : i32
        %get3A_430 = arith.index_cast %get3A_429 : i32 to index
        %get3A_431 = arith.index_cast %mul3A_305 : i32 to index
        %get3A_432 = tpu.vector_load %arg13[%get3A_430, %get3A_431] {strides = array<i32>} : memref<44x768xf32, #tpu.memory_space<vmem>>, vector<16xf32>,
        %add3A_433 = arith.addf %add3A_428, %get3A_432 : vector<16xf32>
        %get3A_434 = arith.constant 21 : i32
        %get3A_435 = arith.index_cast %get3A_434 : i32 to index
        %get3A_436 = arith.index_cast %mul3A_305 : i32 to index
        %get3A_437 = tpu.vector_load %arg13[%get3A_435, %get3A_436] {strides = array<i32>} : memref<44x768xf32, #tpu.memory_space<vmem>>, vector<16xf32>,
        %add3A_438 = arith.addf %add3A_433, %get3A_437 : vector<16xf32>
        %get3A_439 = arith.constant 22 : i32
        %get3A_440 = arith.index_cast %get3A_439 : i32 to index
        %get3A_441 = arith.index_cast %mul3A_305 : i32 to index
        %get3A_442 = tpu.vector_load %arg13[%get3A_440, %get3A_441] {strides = array<i32>} : memref<44x768xf32, #tpu.memory_space<vmem>>, vector<16xf32>,
        %add3A_443 = arith.addf %add3A_438, %get3A_442 : vector<16xf32>
        %get3A_444 = arith.constant 23 : i32
        %get3A_445 = arith.index_cast %get3A_444 : i32 to index
        %get3A_446 = arith.index_cast %mul3A_305 : i32 to index
        %get3A_447 = tpu.vector_load %arg13[%get3A_445, %get3A_446] {strides = array<i32>} : memref<44x768xf32, #tpu.memory_space<vmem>>, vector<16xf32>,
        %add3A_448 = arith.addf %add3A_443, %get3A_447 : vector<16xf32>
        %get3A_449 = arith.constant 24 : i32
        %get3A_450 = arith.index_cast %get3A_449 : i32 to index
        %get3A_451 = arith.index_cast %mul3A_305 : i32 to index
        %get3A_452 = tpu.vector_load %arg13[%get3A_450, %get3A_451] {strides = array<i32>} : memref<44x768xf32, #tpu.memory_space<vmem>>, vector<16xf32>,
        %add3A_453 = arith.addf %add3A_448, %get3A_452 : vector<16xf32>
        %get3A_454 = arith.constant 25 : i32
        %get3A_455 = arith.index_cast %get3A_454 : i32 to index
        %get3A_456 = arith.index_cast %mul3A_305 : i32 to index
        %get3A_457 = tpu.vector_load %arg13[%get3A_455, %get3A_456] {strides = array<i32>} : memref<44x768xf32, #tpu.memory_space<vmem>>, vector<16xf32>,
        %add3A_458 = arith.addf %add3A_453, %get3A_457 : vector<16xf32>
        %get3A_459 = arith.constant 26 : i32
        %get3A_460 = arith.index_cast %get3A_459 : i32 to index
        %get3A_461 = arith.index_cast %mul3A_305 : i32 to index
        %get3A_462 = tpu.vector_load %arg13[%get3A_460, %get3A_461] {strides = array<i32>} : memref<44x768xf32, #tpu.memory_space<vmem>>, vector<16xf32>,
        %add3A_463 = arith.addf %add3A_458, %get3A_462 : vector<16xf32>
        %get3A_464 = arith.constant 38 : i32
        %get3A_465 = arith.index_cast %get3A_464 : i32 to index
        %get3A_466 = arith.index_cast %mul3A_305 : i32 to index
        %get3A_467 = tpu.vector_load %arg13[%get3A_465, %get3A_466] {strides = array<i32>} : memref<44x768xf32, #tpu.memory_space<vmem>>, vector<16xf32>,
        %add3A_468 = arith.addf %add3A_463, %get3A_467 : vector<16xf32>
        %get3A_469 = arith.constant 42 : i32
        %get3A_470 = arith.index_cast %get3A_469 : i32 to index
        %get3A_471 = arith.index_cast %mul3A_305 : i32 to index
        %get3A_472 = tpu.vector_load %arg13[%get3A_470, %get3A_471] {strides = array<i32>} : memref<44x768xf32, #tpu.memory_space<vmem>>, vector<16xf32>,
        %add3A_473 = arith.addf %add3A_468, %get3A_472 : vector<16xf32>
        %add3A_474 = arith.constant 1536 : i32
        %add3A_475 = arith.addi %add3A_474, %mul3A_305 : i32
        %swap3A_476 = arith.index_cast %add3A_475 : i32 to index
        %swap3A_477 = tpu.vector_load %arg15[%swap3A_476] {strides = array<i32>} : memref<3072xf32, #tpu.memory_space<vmem>>, vector<16xf32>,
        tpu.vector_store %arg15[%swap3A_476], %add3A_473 {strides = array<i32>} : memref<3072xf32, #tpu.memory_space<vmem>>, vector<16xf32>,
        %get3A_478 = arith.constant 27 : i32
        %get3A_479 = arith.index_cast %get3A_478 : i32 to index
        %get3A_480 = arith.index_cast %mul3A_305 : i32 to index
        %get3A_481 = tpu.vector_load %arg13[%get3A_479, %get3A_480] {strides = array<i32>} : memref<44x768xf32, #tpu.memory_space<vmem>>, vector<16xf32>,
        %get3A_482 = arith.constant 28 : i32
        %get3A_483 = arith.index_cast %get3A_482 : i32 to index
        %get3A_484 = arith.index_cast %mul3A_305 : i32 to index
        %get3A_485 = tpu.vector_load %arg13[%get3A_483, %get3A_484] {strides = array<i32>} : memref<44x768xf32, #tpu.memory_space<vmem>>, vector<16xf32>,
        %add3A_486 = arith.addf %get3A_481, %get3A_485 : vector<16xf32>
        %get3A_487 = arith.constant 29 : i32
        %get3A_488 = arith.index_cast %get3A_487 : i32 to index
        %get3A_489 = arith.index_cast %mul3A_305 : i32 to index
        %get3A_490 = tpu.vector_load %arg13[%get3A_488, %get3A_489] {strides = array<i32>} : memref<44x768xf32, #tpu.memory_space<vmem>>, vector<16xf32>,
        %add3A_491 = arith.addf %add3A_486, %get3A_490 : vector<16xf32>
        %get3A_492 = arith.constant 30 : i32
        %get3A_493 = arith.index_cast %get3A_492 : i32 to index
        %get3A_494 = arith.index_cast %mul3A_305 : i32 to index
        %get3A_495 = tpu.vector_load %arg13[%get3A_493, %get3A_494] {strides = array<i32>} : memref<44x768xf32, #tpu.memory_space<vmem>>, vector<16xf32>,
        %add3A_496 = arith.addf %add3A_491, %get3A_495 : vector<16xf32>
        %get3A_497 = arith.constant 31 : i32
        %get3A_498 = arith.index_cast %get3A_497 : i32 to index
        %get3A_499 = arith.index_cast %mul3A_305 : i32 to index
        %get3A_500 = tpu.vector_load %arg13[%get3A_498, %get3A_499] {strides = array<i32>} : memref<44x768xf32, #tpu.memory_space<vmem>>, vector<16xf32>,
        %add3A_501 = arith.addf %add3A_496, %get3A_500 : vector<16xf32>
        %get3A_502 = arith.constant 32 : i32
        %get3A_503 = arith.index_cast %get3A_502 : i32 to index
        %get3A_504 = arith.index_cast %mul3A_305 : i32 to index
        %get3A_505 = tpu.vector_load %arg13[%get3A_503, %get3A_504] {strides = array<i32>} : memref<44x768xf32, #tpu.memory_space<vmem>>, vector<16xf32>,
        %add3A_506 = arith.addf %add3A_501, %get3A_505 : vector<16xf32>
        %get3A_507 = arith.constant 33 : i32
        %get3A_508 = arith.index_cast %get3A_507 : i32 to index
        %get3A_509 = arith.index_cast %mul3A_305 : i32 to index
        %get3A_510 = tpu.vector_load %arg13[%get3A_508, %get3A_509] {strides = array<i32>} : memref<44x768xf32, #tpu.memory_space<vmem>>, vector<16xf32>,
        %add3A_511 = arith.addf %add3A_506, %get3A_510 : vector<16xf32>
        %get3A_512 = arith.constant 34 : i32
        %get3A_513 = arith.index_cast %get3A_512 : i32 to index
        %get3A_514 = arith.index_cast %mul3A_305 : i32 to index
        %get3A_515 = tpu.vector_load %arg13[%get3A_513, %get3A_514] {strides = array<i32>} : memref<44x768xf32, #tpu.memory_space<vmem>>, vector<16xf32>,
        %add3A_516 = arith.addf %add3A_511, %get3A_515 : vector<16xf32>
        %get3A_517 = arith.constant 35 : i32
        %get3A_518 = arith.index_cast %get3A_517 : i32 to index
        %get3A_519 = arith.index_cast %mul3A_305 : i32 to index
        %get3A_520 = tpu.vector_load %arg13[%get3A_518, %get3A_519] {strides = array<i32>} : memref<44x768xf32, #tpu.memory_space<vmem>>, vector<16xf32>,
        %add3A_521 = arith.addf %add3A_516, %get3A_520 : vector<16xf32>
        %get3A_522 = arith.constant 39 : i32
        %get3A_523 = arith.index_cast %get3A_522 : i32 to index
        %get3A_524 = arith.index_cast %mul3A_305 : i32 to index
        %get3A_525 = tpu.vector_load %arg13[%get3A_523, %get3A_524] {strides = array<i32>} : memref<44x768xf32, #tpu.memory_space<vmem>>, vector<16xf32>,
        %add3A_526 = arith.addf %add3A_521, %get3A_525 : vector<16xf32>
        %get3A_527 = arith.constant 43 : i32
        %get3A_528 = arith.index_cast %get3A_527 : i32 to index
        %get3A_529 = arith.index_cast %mul3A_305 : i32 to index
        %get3A_530 = tpu.vector_load %arg13[%get3A_528, %get3A_529] {strides = array<i32>} : memref<44x768xf32, #tpu.memory_space<vmem>>, vector<16xf32>,
        %add3A_531 = arith.addf %add3A_526, %get3A_530 : vector<16xf32>
        %add3A_532 = arith.constant 2304 : i32
        %add3A_533 = arith.addi %add3A_532, %mul3A_305 : i32
        %swap3A_534 = arith.index_cast %add3A_533 : i32 to index
        %swap3A_535 = tpu.vector_load %arg15[%swap3A_534] {strides = array<i32>} : memref<3072xf32, #tpu.memory_space<vmem>>, vector<16xf32>,
        tpu.vector_store %arg15[%swap3A_534], %add3A_531 {strides = array<i32>} : memref<3072xf32, #tpu.memory_space<vmem>>, vector<16xf32>,
      }
      %scan3A_133 = arith.constant 48 : i32
      %mul3A_134 = arith.constant 8 : i32
      %mul3A_135 = arith.muli %add3A, %mul3A_134 : i32
      %jit3A = arith.constant 32 : i32
      %div3A = arith.divsi %add3A_73, %jit3A : i32
      %sign3A = arith.constant 0 : i32
      %sign3A_136 = arith.cmpi sgt, %add3A_73, %sign3A : i32
      %sign3A_137 = arith.extui %sign3A_136 : i1 to i32
      %sign3A_138 = arith.constant 0 : i32
      %sign3A_139 = arith.cmpi slt, %add3A_73, %sign3A_138 : i32
      %sign3A_140 = arith.extui %sign3A_139 : i1 to i32
      %sign3A_141 = arith.subi %sign3A_137, %sign3A_140 : i32
      %sign3A_142 = arith.constant 0 : i32
      %sign3A_143 = arith.cmpi sgt, %jit3A, %sign3A_142 : i32
      %sign3A_144 = arith.extui %sign3A_143 : i1 to i32
      %sign3A_145 = arith.constant 0 : i32
      %sign3A_146 = arith.cmpi slt, %jit3A, %sign3A_145 : i32
      %sign3A_147 = arith.extui %sign3A_146 : i1 to i32
      %sign3A_148 = arith.subi %sign3A_144, %sign3A_147 : i32
      %ne3A = arith.cmpi ne, %sign3A_141, %sign3A_148 : i32
      %rem3A = arith.remsi %add3A_73, %jit3A : i32
      %ne3A_149 = arith.constant 0 : i32
      %ne3A_150 = arith.cmpi ne, %rem3A, %ne3A_149 : i32
      %and3A = arith.andi %ne3A, %ne3A_150 : i1
      %sub3A_151 = arith.constant 1 : i32
      %sub3A_152 = arith.subi %div3A, %sub3A_151 : i32
      %select_n3A = arith.select %and3A, %sub3A_152, %div3A : i32
      %add3A_153 = arith.addi %mul3A_135, %select_n3A : i32
      %mul3A_154 = arith.constant 129 : i32
      %mul3A_155 = arith.muli %add3A_153, %mul3A_154 : i32
      %add3A_156 = arith.constant 1 : i32
      %add3A_157 = arith.addi %mul3A_155, %add3A_156 : i32
      %jit3A_158 = arith.constant 32 : i32
      %eq3A = arith.constant 0 : i32
      %eq3A_159 = arith.cmpi eq, %jit3A_158, %eq3A : i32
      %jit3A_160 = arith.constant 1 : i32
      %select_n3A_161 = arith.select %eq3A_159, %jit3A_160, %jit3A_158 : i32
      %rem3A_162 = arith.remsi %add3A_73, %select_n3A_161 : i32
      %ne3A_163 = arith.constant 0 : i32
      %ne3A_164 = arith.cmpi ne, %rem3A_162, %ne3A_163 : i32
      %lt3A_165 = arith.constant 0 : i32
      %lt3A_166 = arith.cmpi slt, %rem3A_162, %lt3A_165 : i32
      %lt3A_167 = arith.constant 0 : i32
      %lt3A_168 = arith.cmpi slt, %select_n3A_161, %lt3A_167 : i32
      %ne3A_169 = arith.xori %lt3A_166, %lt3A_168 : i1
      %and3A_170 = arith.andi %ne3A_169, %ne3A_164 : i1
      %add3A_171 = arith.addi %rem3A_162, %select_n3A_161 : i32
      %select_n3A_172 = arith.select %and3A_170, %add3A_171, %rem3A_162 : i32
      %mul3A_173 = arith.constant 4 : i32
      %mul3A_174 = arith.muli %mul3A_173, %select_n3A_172 : i32
      %add3A_175 = arith.addi %add3A_157, %mul3A_174 : i32
      %mul3A_176 = arith.constant 768 : i32
      %mul3A_177 = arith.muli %add3A_175, %mul3A_176 : i32
      %dma_start3A_178 = tpu.memref_slice %arg9[%mul3A_177] : memref<25362432xf32, #tpu.memory_space<hbm>> -> memref<3072xf32, #tpu.memory_space<hbm>>
      %dma_start3A_179 = tpu.memref_slice %arg9[%mul3A_177] : memref<25362432xf32, #tpu.memory_space<hbm>> -> memref<3072xf32, #tpu.memory_space<hbm>>
      tpu.enqueue_dma source(%arg15 : memref<3072xf32, #tpu.memory_space<vmem>>) target(%dma_start3A_179 : memref<3072xf32, #tpu.memory_space<hbm>>) target_semaphore(%arg20 : memref<!tpu.dma_semaphore, #tpu.memory_space<semaphore_mem>>)
      %mul3A_180 = arith.constant 2 : i32
      %mul3A_181 = arith.muli %mul3A_180, %scan3A_69 : i32
      %add3A_182 = arith.constant 1 : i32
      %add3A_183 = arith.addi %mul3A_181, %add3A_182 : i32
      %add3A_184 = arith.constant 2 : i32
      %add3A_185 = arith.addi %add3A_183, %add3A_184 : i32
      %sub3A_186 = arith.constant 1 : i32
      %sub3A_187 = arith.subi %add3A_185, %sub3A_186 : i32
      %lt3A_188 = arith.constant 256 : i32
      %lt3A_189 = arith.cmpi slt, %sub3A_187, %lt3A_188 : i32
      %convert_element_type3A_190 = arith.extui %lt3A_189 : i1 to i32
      %cond3A_191 = arith.constant 0 : i32
      %cond3A_192 = arith.cmpi ne, %convert_element_type3A_190, %cond3A_191 : i32
      scf.if %cond3A_192 {
        %add3A_303 = arith.constant 2 : i32
        %add3A_304 = arith.addi %add3A_183, %add3A_303 : i32
        %sub3A_305 = arith.constant 1 : i32
        %sub3A_306 = arith.subi %add3A_304, %sub3A_305 : i32
        %jit3A_307 = arith.constant 32 : i32
        %div3A_308 = arith.divsi %sub3A_306, %jit3A_307 : i32
        %sign3A_309 = arith.constant 0 : i32
        %sign3A_310 = arith.cmpi sgt, %sub3A_306, %sign3A_309 : i32
        %sign3A_311 = arith.extui %sign3A_310 : i1 to i32
        %sign3A_312 = arith.constant 0 : i32
        %sign3A_313 = arith.cmpi slt, %sub3A_306, %sign3A_312 : i32
        %sign3A_314 = arith.extui %sign3A_313 : i1 to i32
        %sign3A_315 = arith.subi %sign3A_311, %sign3A_314 : i32
        %sign3A_316 = arith.constant 0 : i32
        %sign3A_317 = arith.cmpi sgt, %jit3A_307, %sign3A_316 : i32
        %sign3A_318 = arith.extui %sign3A_317 : i1 to i32
        %sign3A_319 = arith.constant 0 : i32
        %sign3A_320 = arith.cmpi slt, %jit3A_307, %sign3A_319 : i32
        %sign3A_321 = arith.extui %sign3A_320 : i1 to i32
        %sign3A_322 = arith.subi %sign3A_318, %sign3A_321 : i32
        %ne3A_323 = arith.cmpi ne, %sign3A_315, %sign3A_322 : i32
        %rem3A_324 = arith.remsi %sub3A_306, %jit3A_307 : i32
        %ne3A_325 = arith.constant 0 : i32
        %ne3A_326 = arith.cmpi ne, %rem3A_324, %ne3A_325 : i32
        %and3A_327 = arith.andi %ne3A_323, %ne3A_326 : i1
        %sub3A_328 = arith.constant 1 : i32
        %sub3A_329 = arith.subi %div3A_308, %sub3A_328 : i32
        %select_n3A_330 = arith.select %and3A_327, %sub3A_329, %div3A_308 : i32
        %jit3A_331 = arith.constant 32 : i32
        %eq3A_332 = arith.constant 0 : i32
        %eq3A_333 = arith.cmpi eq, %jit3A_331, %eq3A_332 : i32
        %jit3A_334 = arith.constant 1 : i32
        %select_n3A_335 = arith.select %eq3A_333, %jit3A_334, %jit3A_331 : i32
        %rem3A_336 = arith.remsi %sub3A_306, %select_n3A_335 : i32
        %ne3A_337 = arith.constant 0 : i32
        %ne3A_338 = arith.cmpi ne, %rem3A_336, %ne3A_337 : i32
        %lt3A_339 = arith.constant 0 : i32
        %lt3A_340 = arith.cmpi slt, %rem3A_336, %lt3A_339 : i32
        %lt3A_341 = arith.constant 0 : i32
        %lt3A_342 = arith.cmpi slt, %select_n3A_335, %lt3A_341 : i32
        %ne3A_343 = arith.xori %lt3A_340, %lt3A_342 : i1
        %and3A_344 = arith.andi %ne3A_343, %ne3A_338 : i1
        %add3A_345 = arith.addi %rem3A_336, %select_n3A_335 : i32
        %select_n3A_346 = arith.select %and3A_344, %add3A_345, %rem3A_336 : i32
        %dma_start3A_347 = arith.constant 0 : i32
        %dma_start3A_348 = arith.constant 0 : i32
        %dma_start3A_349 = tpu.memref_slice %arg13[%dma_start3A_347, %dma_start3A_348] : memref<44x768xf32, #tpu.memory_space<vmem>> -> memref<36x768xf32, #tpu.memory_space<vmem>>
        %dma_start3A_350 = arith.constant 0 : i32
        %dma_start3A_351 = arith.constant 0 : i32
        %dma_start3A_352 = tpu.memref_slice %arg10[%select_n3A_330, %dma_start3A_350, %dma_start3A_351] : memref<8x32x36xi32, #tpu.memory_space<vmem>> -> memref<1x32x36xi32, #tpu.memory_space<vmem>>
        %dma_start3A_353 = tpu.memref_squeeze %dma_start3A_352 : memref<1x32x36xi32, #tpu.memory_space<vmem>> -> memref<32x36xi32, #tpu.memory_space<vmem>>
        %dma_start3A_354 = arith.constant 0 : i32
        %dma_start3A_355 = tpu.memref_slice %dma_start3A_353[%select_n3A_346, %dma_start3A_354] : memref<32x36xi32, #tpu.memory_space<vmem>> -> memref<1x36xi32, #tpu.memory_space<vmem>>
        %dma_start3A_356 = tpu.memref_squeeze %dma_start3A_355 : memref<1x36xi32, #tpu.memory_space<vmem>> -> memref<36xi32, #tpu.memory_space<vmem>>
        %dma_start3A_357 = arith.constant 0 : i32
        %dma_start3A_358 = arith.constant 0 : i32
        %dma_start3A_359 = tpu.memref_slice %arg2[%dma_start3A_357, %dma_start3A_358] : memref<4609x768xf32, #tpu.memory_space<hbm>> -> memref<4609x768xf32, #tpu.memory_space<hbm>>
        tpu.enqueue_indirect_dma source(%dma_start3A_359 : memref<4609x768xf32, #tpu.memory_space<hbm>>) target(%dma_start3A_349 : memref<36x768xf32, #tpu.memory_space<vmem>>) offsets(%dma_start3A_356 : memref<36xi32, #tpu.memory_space<vmem>>) semaphore(%arg18 : memref<!tpu.dma_semaphore, #tpu.memory_space<semaphore_mem>>)
        %dma_start3A_360 = arith.constant 36 : i32
        %dma_start3A_361 = arith.constant 0 : i32
        %dma_start3A_362 = tpu.memref_slice %arg13[%dma_start3A_360, %dma_start3A_361] : memref<44x768xf32, #tpu.memory_space<vmem>> -> memref<4x768xf32, #tpu.memory_space<vmem>>
        %dma_start3A_363 = arith.constant 0 : i32
        %dma_start3A_364 = arith.constant 0 : i32
        %dma_start3A_365 = tpu.memref_slice %arg11[%select_n3A_330, %dma_start3A_363, %dma_start3A_364] : memref<8x32x4xi32, #tpu.memory_space<vmem>> -> memref<1x32x4xi32, #tpu.memory_space<vmem>>
        %dma_start3A_366 = tpu.memref_squeeze %dma_start3A_365 : memref<1x32x4xi32, #tpu.memory_space<vmem>> -> memref<32x4xi32, #tpu.memory_space<vmem>>
        %dma_start3A_367 = arith.constant 0 : i32
        %dma_start3A_368 = tpu.memref_slice %dma_start3A_366[%select_n3A_346, %dma_start3A_367] : memref<32x4xi32, #tpu.memory_space<vmem>> -> memref<1x4xi32, #tpu.memory_space<vmem>>
        %dma_start3A_369 = tpu.memref_squeeze %dma_start3A_368 : memref<1x4xi32, #tpu.memory_space<vmem>> -> memref<4xi32, #tpu.memory_space<vmem>>
        %dma_start3A_370 = arith.constant 0 : i32
        %dma_start3A_371 = arith.constant 0 : i32
        %dma_start3A_372 = tpu.memref_slice %arg3[%dma_start3A_370, %dma_start3A_371] : memref<512x768xf32, #tpu.memory_space<hbm>> -> memref<512x768xf32, #tpu.memory_space<hbm>>
        tpu.enqueue_indirect_dma source(%dma_start3A_372 : memref<512x768xf32, #tpu.memory_space<hbm>>) target(%dma_start3A_362 : memref<4x768xf32, #tpu.memory_space<vmem>>) offsets(%dma_start3A_369 : memref<4xi32, #tpu.memory_space<vmem>>) semaphore(%arg18 : memref<!tpu.dma_semaphore, #tpu.memory_space<semaphore_mem>>)
        %dma_start3A_373 = arith.constant 40 : i32
        %dma_start3A_374 = arith.constant 0 : i32
        %dma_start3A_375 = tpu.memref_slice %arg13[%dma_start3A_373, %dma_start3A_374] : memref<44x768xf32, #tpu.memory_space<vmem>> -> memref<4x768xf32, #tpu.memory_space<vmem>>
        %dma_start3A_376 = arith.constant 0 : i32
        %dma_start3A_377 = arith.constant 0 : i32
        %dma_start3A_378 = tpu.memref_slice %arg12[%select_n3A_330, %dma_start3A_376, %dma_start3A_377] : memref<8x32x4xi32, #tpu.memory_space<vmem>> -> memref<1x32x4xi32, #tpu.memory_space<vmem>>
        %dma_start3A_379 = tpu.memref_squeeze %dma_start3A_378 : memref<1x32x4xi32, #tpu.memory_space<vmem>> -> memref<32x4xi32, #tpu.memory_space<vmem>>
        %dma_start3A_380 = arith.constant 0 : i32
        %dma_start3A_381 = tpu.memref_slice %dma_start3A_379[%select_n3A_346, %dma_start3A_380] : memref<32x4xi32, #tpu.memory_space<vmem>> -> memref<1x4xi32, #tpu.memory_space<vmem>>
        %dma_start3A_382 = tpu.memref_squeeze %dma_start3A_381 : memref<1x4xi32, #tpu.memory_space<vmem>> -> memref<4xi32, #tpu.memory_space<vmem>>
        %dma_start3A_383 = arith.constant 0 : i32
        %dma_start3A_384 = arith.constant 0 : i32
        %dma_start3A_385 = tpu.memref_slice %arg4[%dma_start3A_383, %dma_start3A_384] : memref<512x768xf32, #tpu.memory_space<hbm>> -> memref<512x768xf32, #tpu.memory_space<hbm>>
        tpu.enqueue_indirect_dma source(%dma_start3A_385 : memref<512x768xf32, #tpu.memory_space<hbm>>) target(%dma_start3A_375 : memref<4x768xf32, #tpu.memory_space<vmem>>) offsets(%dma_start3A_382 : memref<4xi32, #tpu.memory_space<vmem>>) semaphore(%arg18 : memref<!tpu.dma_semaphore, #tpu.memory_space<semaphore_mem>>)
      } else {
      }
      %dma_wait3A_193 = arith.constant 0 : i32
      %dma_wait3A_194 = arith.constant 0 : i32
      %dma_wait3A_195 = arith.constant 0 : i32
      %dma_wait3A_196 = arith.constant 0 : i32
      %dma_wait3A_197 = tpu.memref_slice %arg14[%dma_wait3A_195, %dma_wait3A_196] : memref<44x768xf32, #tpu.memory_space<vmem>> -> memref<36x768xf32, #tpu.memory_space<vmem>>
      %dma_wait3A_198 = arith.constant 0 : i32
      %dma_wait3A_199 = arith.constant 0 : i32
      %dma_wait3A_200 = tpu.memref_slice %arg10[%dma_wait3A_193, %dma_wait3A_198, %dma_wait3A_199] : memref<8x32x36xi32, #tpu.memory_space<vmem>> -> memref<1x32x36xi32, #tpu.memory_space<vmem>>
      %dma_wait3A_201 = tpu.memref_squeeze %dma_wait3A_200 : memref<1x32x36xi32, #tpu.memory_space<vmem>> -> memref<32x36xi32, #tpu.memory_space<vmem>>
      %dma_wait3A_202 = arith.constant 0 : i32
      %dma_wait3A_203 = tpu.memref_slice %dma_wait3A_201[%dma_wait3A_194, %dma_wait3A_202] : memref<32x36xi32, #tpu.memory_space<vmem>> -> memref<1x36xi32, #tpu.memory_space<vmem>>
      %dma_wait3A_204 = tpu.memref_squeeze %dma_wait3A_203 : memref<1x36xi32, #tpu.memory_space<vmem>> -> memref<36xi32, #tpu.memory_space<vmem>>
      %dma_wait3A_205 = arith.constant 0 : i32
      %dma_wait3A_206 = arith.constant 0 : i32
      %dma_wait3A_207 = tpu.memref_slice %arg2[%dma_wait3A_205, %dma_wait3A_206] : memref<4609x768xf32, #tpu.memory_space<hbm>> -> memref<4609x768xf32, #tpu.memory_space<hbm>>
      tpu.wait_indirect_dma semaphore(%arg19 : memref<!tpu.dma_semaphore, #tpu.memory_space<semaphore_mem>>) src(%dma_wait3A_207 : memref<4609x768xf32, #tpu.memory_space<hbm>>) dst(%dma_wait3A_197 : memref<36x768xf32, #tpu.memory_space<vmem>>)
      %dma_wait3A_208 = arith.constant 0 : i32
      %dma_wait3A_209 = arith.constant 0 : i32
      %dma_wait3A_210 = arith.constant 36 : i32
      %dma_wait3A_211 = arith.constant 0 : i32
      %dma_wait3A_212 = tpu.memref_slice %arg14[%dma_wait3A_210, %dma_wait3A_211] : memref<44x768xf32, #tpu.memory_space<vmem>> -> memref<4x768xf32, #tpu.memory_space<vmem>>
      %dma_wait3A_213 = arith.constant 0 : i32
      %dma_wait3A_214 = arith.constant 0 : i32
      %dma_wait3A_215 = tpu.memref_slice %arg11[%dma_wait3A_208, %dma_wait3A_213, %dma_wait3A_214] : memref<8x32x4xi32, #tpu.memory_space<vmem>> -> memref<1x32x4xi32, #tpu.memory_space<vmem>>
      %dma_wait3A_216 = tpu.memref_squeeze %dma_wait3A_215 : memref<1x32x4xi32, #tpu.memory_space<vmem>> -> memref<32x4xi32, #tpu.memory_space<vmem>>
      %dma_wait3A_217 = arith.constant 0 : i32
      %dma_wait3A_218 = tpu.memref_slice %dma_wait3A_216[%dma_wait3A_209, %dma_wait3A_217] : memref<32x4xi32, #tpu.memory_space<vmem>> -> memref<1x4xi32, #tpu.memory_space<vmem>>
      %dma_wait3A_219 = tpu.memref_squeeze %dma_wait3A_218 : memref<1x4xi32, #tpu.memory_space<vmem>> -> memref<4xi32, #tpu.memory_space<vmem>>
      %dma_wait3A_220 = arith.constant 0 : i32
      %dma_wait3A_221 = arith.constant 0 : i32
      %dma_wait3A_222 = tpu.memref_slice %arg3[%dma_wait3A_220, %dma_wait3A_221] : memref<512x768xf32, #tpu.memory_space<hbm>> -> memref<512x768xf32, #tpu.memory_space<hbm>>
      tpu.wait_indirect_dma semaphore(%arg19 : memref<!tpu.dma_semaphore, #tpu.memory_space<semaphore_mem>>) src(%dma_wait3A_222 : memref<512x768xf32, #tpu.memory_space<hbm>>) dst(%dma_wait3A_212 : memref<4x768xf32, #tpu.memory_space<vmem>>)
      %dma_wait3A_223 = arith.constant 0 : i32
      %dma_wait3A_224 = arith.constant 0 : i32
      %dma_wait3A_225 = arith.constant 40 : i32
      %dma_wait3A_226 = arith.constant 0 : i32
      %dma_wait3A_227 = tpu.memref_slice %arg14[%dma_wait3A_225, %dma_wait3A_226] : memref<44x768xf32, #tpu.memory_space<vmem>> -> memref<4x768xf32, #tpu.memory_space<vmem>>
      %dma_wait3A_228 = arith.constant 0 : i32
      %dma_wait3A_229 = arith.constant 0 : i32
      %dma_wait3A_230 = tpu.memref_slice %arg12[%dma_wait3A_223, %dma_wait3A_228, %dma_wait3A_229] : memref<8x32x4xi32, #tpu.memory_space<vmem>> -> memref<1x32x4xi32, #tpu.memory_space<vmem>>
      %dma_wait3A_231 = tpu.memref_squeeze %dma_wait3A_230 : memref<1x32x4xi32, #tpu.memory_space<vmem>> -> memref<32x4xi32, #tpu.memory_space<vmem>>
      %dma_wait3A_232 = arith.constant 0 : i32
      %dma_wait3A_233 = tpu.memref_slice %dma_wait3A_231[%dma_wait3A_224, %dma_wait3A_232] : memref<32x4xi32, #tpu.memory_space<vmem>> -> memref<1x4xi32, #tpu.memory_space<vmem>>
      %dma_wait3A_234 = tpu.memref_squeeze %dma_wait3A_233 : memref<1x4xi32, #tpu.memory_space<vmem>> -> memref<4xi32, #tpu.memory_space<vmem>>
      %dma_wait3A_235 = arith.constant 0 : i32
      %dma_wait3A_236 = arith.constant 0 : i32
      %dma_wait3A_237 = tpu.memref_slice %arg4[%dma_wait3A_235, %dma_wait3A_236] : memref<512x768xf32, #tpu.memory_space<hbm>> -> memref<512x768xf32, #tpu.memory_space<hbm>>
      tpu.wait_indirect_dma semaphore(%arg19 : memref<!tpu.dma_semaphore, #tpu.memory_space<semaphore_mem>>) src(%dma_wait3A_237 : memref<512x768xf32, #tpu.memory_space<hbm>>) dst(%dma_wait3A_227 : memref<4x768xf32, #tpu.memory_space<vmem>>)
      %gt3A_238 = arith.constant 0 : i32
      %gt3A_239 = arith.cmpi sgt, %scan3A_69, %gt3A_238 : i32
      %convert_element_type3A_240 = arith.extui %gt3A_239 : i1 to i32
      %cond3A_241 = arith.constant 0 : i32
      %cond3A_242 = arith.cmpi ne, %convert_element_type3A_240, %cond3A_241 : i32
      scf.if %cond3A_242 {
        %dma_wait3A_303 = arith.constant 0 : i32
        %dma_wait3A_304 = tpu.memref_slice %arg9[%dma_wait3A_303] : memref<25362432xf32, #tpu.memory_space<hbm>> -> memref<3072xf32, #tpu.memory_space<hbm>>
        %dma_wait3A_305 = arith.constant 0 : i32
        %dma_wait3A_306 = tpu.memref_slice %arg9[%dma_wait3A_305] : memref<25362432xf32, #tpu.memory_space<hbm>> -> memref<3072xf32, #tpu.memory_space<hbm>>
        tpu.wait_dma2 semaphore(%arg21 : memref<!tpu.dma_semaphore, #tpu.memory_space<semaphore_mem>>) src(%arg16 : memref<3072xf32, #tpu.memory_space<vmem>>) dst(%dma_wait3A_306 : memref<3072xf32, #tpu.memory_space<hbm>>)
      } else {
      }
      %scan3A_243 = arith.constant 0 : i32
      %scan3A_244 = arith.constant 0 : i32
      %scan3A_245 = arith.constant 48 : i32
      %scan3A_246 = arith.addi %scan3A_244, %scan3A_245 : i32
      %scan3A_247 = arith.constant 1 : i32
      scf.for %scan3A_303 = %scan3A_244 to %scan3A_246 step %scan3A_247  : i32 {
        %mul3A_304 = arith.constant 16 : i32
        %mul3A_305 = arith.muli %scan3A_303, %mul3A_304 : i32
        %get3A = arith.constant 0 : i32
        %get3A_306 = arith.index_cast %get3A : i32 to index
        %get3A_307 = arith.index_cast %mul3A_305 : i32 to index
        %get3A_308 = tpu.vector_load %arg14[%get3A_306, %get3A_307] {strides = array<i32>} : memref<44x768xf32, #tpu.memory_space<vmem>>, vector<16xf32>,
        %get3A_309 = arith.constant 1 : i32
        %get3A_310 = arith.index_cast %get3A_309 : i32 to index
        %get3A_311 = arith.index_cast %mul3A_305 : i32 to index
        %get3A_312 = tpu.vector_load %arg14[%get3A_310, %get3A_311] {strides = array<i32>} : memref<44x768xf32, #tpu.memory_space<vmem>>, vector<16xf32>,
        %add3A_313 = arith.addf %get3A_308, %get3A_312 : vector<16xf32>
        %get3A_314 = arith.constant 2 : i32
        %get3A_315 = arith.index_cast %get3A_314 : i32 to index
        %get3A_316 = arith.index_cast %mul3A_305 : i32 to index
        %get3A_317 = tpu.vector_load %arg14[%get3A_315, %get3A_316] {strides = array<i32>} : memref<44x768xf32, #tpu.memory_space<vmem>>, vector<16xf32>,
        %add3A_318 = arith.addf %add3A_313, %get3A_317 : vector<16xf32>
        %get3A_319 = arith.constant 3 : i32
        %get3A_320 = arith.index_cast %get3A_319 : i32 to index
        %get3A_321 = arith.index_cast %mul3A_305 : i32 to index
        %get3A_322 = tpu.vector_load %arg14[%get3A_320, %get3A_321] {strides = array<i32>} : memref<44x768xf32, #tpu.memory_space<vmem>>, vector<16xf32>,
        %add3A_323 = arith.addf %add3A_318, %get3A_322 : vector<16xf32>
        %get3A_324 = arith.constant 4 : i32
        %get3A_325 = arith.index_cast %get3A_324 : i32 to index
        %get3A_326 = arith.index_cast %mul3A_305 : i32 to index
        %get3A_327 = tpu.vector_load %arg14[%get3A_325, %get3A_326] {strides = array<i32>} : memref<44x768xf32, #tpu.memory_space<vmem>>, vector<16xf32>,
        %add3A_328 = arith.addf %add3A_323, %get3A_327 : vector<16xf32>
        %get3A_329 = arith.constant 5 : i32
        %get3A_330 = arith.index_cast %get3A_329 : i32 to index
        %get3A_331 = arith.index_cast %mul3A_305 : i32 to index
        %get3A_332 = tpu.vector_load %arg14[%get3A_330, %get3A_331] {strides = array<i32>} : memref<44x768xf32, #tpu.memory_space<vmem>>, vector<16xf32>,
        %add3A_333 = arith.addf %add3A_328, %get3A_332 : vector<16xf32>
        %get3A_334 = arith.constant 6 : i32
        %get3A_335 = arith.index_cast %get3A_334 : i32 to index
        %get3A_336 = arith.index_cast %mul3A_305 : i32 to index
        %get3A_337 = tpu.vector_load %arg14[%get3A_335, %get3A_336] {strides = array<i32>} : memref<44x768xf32, #tpu.memory_space<vmem>>, vector<16xf32>,
        %add3A_338 = arith.addf %add3A_333, %get3A_337 : vector<16xf32>
        %get3A_339 = arith.constant 7 : i32
        %get3A_340 = arith.index_cast %get3A_339 : i32 to index
        %get3A_341 = arith.index_cast %mul3A_305 : i32 to index
        %get3A_342 = tpu.vector_load %arg14[%get3A_340, %get3A_341] {strides = array<i32>} : memref<44x768xf32, #tpu.memory_space<vmem>>, vector<16xf32>,
        %add3A_343 = arith.addf %add3A_338, %get3A_342 : vector<16xf32>
        %get3A_344 = arith.constant 8 : i32
        %get3A_345 = arith.index_cast %get3A_344 : i32 to index
        %get3A_346 = arith.index_cast %mul3A_305 : i32 to index
        %get3A_347 = tpu.vector_load %arg14[%get3A_345, %get3A_346] {strides = array<i32>} : memref<44x768xf32, #tpu.memory_space<vmem>>, vector<16xf32>,
        %add3A_348 = arith.addf %add3A_343, %get3A_347 : vector<16xf32>
        %get3A_349 = arith.constant 36 : i32
        %get3A_350 = arith.index_cast %get3A_349 : i32 to index
        %get3A_351 = arith.index_cast %mul3A_305 : i32 to index
        %get3A_352 = tpu.vector_load %arg14[%get3A_350, %get3A_351] {strides = array<i32>} : memref<44x768xf32, #tpu.memory_space<vmem>>, vector<16xf32>,
        %add3A_353 = arith.addf %add3A_348, %get3A_352 : vector<16xf32>
        %get3A_354 = arith.constant 40 : i32
        %get3A_355 = arith.index_cast %get3A_354 : i32 to index
        %get3A_356 = arith.index_cast %mul3A_305 : i32 to index
        %get3A_357 = tpu.vector_load %arg14[%get3A_355, %get3A_356] {strides = array<i32>} : memref<44x768xf32, #tpu.memory_space<vmem>>, vector<16xf32>,
        %add3A_358 = arith.addf %add3A_353, %get3A_357 : vector<16xf32>
        %add3A_359 = arith.constant 0 : i32
        %add3A_360 = arith.addi %add3A_359, %mul3A_305 : i32
        %swap3A = arith.index_cast %add3A_360 : i32 to index
        %swap3A_361 = tpu.vector_load %arg16[%swap3A] {strides = array<i32>} : memref<3072xf32, #tpu.memory_space<vmem>>, vector<16xf32>,
        tpu.vector_store %arg16[%swap3A], %add3A_358 {strides = array<i32>} : memref<3072xf32, #tpu.memory_space<vmem>>, vector<16xf32>,
        %get3A_362 = arith.constant 9 : i32
        %get3A_363 = arith.index_cast %get3A_362 : i32 to index
        %get3A_364 = arith.index_cast %mul3A_305 : i32 to index
        %get3A_365 = tpu.vector_load %arg14[%get3A_363, %get3A_364] {strides = array<i32>} : memref<44x768xf32, #tpu.memory_space<vmem>>, vector<16xf32>,
        %get3A_366 = arith.constant 10 : i32
        %get3A_367 = arith.index_cast %get3A_366 : i32 to index
        %get3A_368 = arith.index_cast %mul3A_305 : i32 to index
        %get3A_369 = tpu.vector_load %arg14[%get3A_367, %get3A_368] {strides = array<i32>} : memref<44x768xf32, #tpu.memory_space<vmem>>, vector<16xf32>,
        %add3A_370 = arith.addf %get3A_365, %get3A_369 : vector<16xf32>
        %get3A_371 = arith.constant 11 : i32
        %get3A_372 = arith.index_cast %get3A_371 : i32 to index
        %get3A_373 = arith.index_cast %mul3A_305 : i32 to index
        %get3A_374 = tpu.vector_load %arg14[%get3A_372, %get3A_373] {strides = array<i32>} : memref<44x768xf32, #tpu.memory_space<vmem>>, vector<16xf32>,
        %add3A_375 = arith.addf %add3A_370, %get3A_374 : vector<16xf32>
        %get3A_376 = arith.constant 12 : i32
        %get3A_377 = arith.index_cast %get3A_376 : i32 to index
        %get3A_378 = arith.index_cast %mul3A_305 : i32 to index
        %get3A_379 = tpu.vector_load %arg14[%get3A_377, %get3A_378] {strides = array<i32>} : memref<44x768xf32, #tpu.memory_space<vmem>>, vector<16xf32>,
        %add3A_380 = arith.addf %add3A_375, %get3A_379 : vector<16xf32>
        %get3A_381 = arith.constant 13 : i32
        %get3A_382 = arith.index_cast %get3A_381 : i32 to index
        %get3A_383 = arith.index_cast %mul3A_305 : i32 to index
        %get3A_384 = tpu.vector_load %arg14[%get3A_382, %get3A_383] {strides = array<i32>} : memref<44x768xf32, #tpu.memory_space<vmem>>, vector<16xf32>,
        %add3A_385 = arith.addf %add3A_380, %get3A_384 : vector<16xf32>
        %get3A_386 = arith.constant 14 : i32
        %get3A_387 = arith.index_cast %get3A_386 : i32 to index
        %get3A_388 = arith.index_cast %mul3A_305 : i32 to index
        %get3A_389 = tpu.vector_load %arg14[%get3A_387, %get3A_388] {strides = array<i32>} : memref<44x768xf32, #tpu.memory_space<vmem>>, vector<16xf32>,
        %add3A_390 = arith.addf %add3A_385, %get3A_389 : vector<16xf32>
        %get3A_391 = arith.constant 15 : i32
        %get3A_392 = arith.index_cast %get3A_391 : i32 to index
        %get3A_393 = arith.index_cast %mul3A_305 : i32 to index
        %get3A_394 = tpu.vector_load %arg14[%get3A_392, %get3A_393] {strides = array<i32>} : memref<44x768xf32, #tpu.memory_space<vmem>>, vector<16xf32>,
        %add3A_395 = arith.addf %add3A_390, %get3A_394 : vector<16xf32>
        %get3A_396 = arith.constant 16 : i32
        %get3A_397 = arith.index_cast %get3A_396 : i32 to index
        %get3A_398 = arith.index_cast %mul3A_305 : i32 to index
        %get3A_399 = tpu.vector_load %arg14[%get3A_397, %get3A_398] {strides = array<i32>} : memref<44x768xf32, #tpu.memory_space<vmem>>, vector<16xf32>,
        %add3A_400 = arith.addf %add3A_395, %get3A_399 : vector<16xf32>
        %get3A_401 = arith.constant 17 : i32
        %get3A_402 = arith.index_cast %get3A_401 : i32 to index
        %get3A_403 = arith.index_cast %mul3A_305 : i32 to index
        %get3A_404 = tpu.vector_load %arg14[%get3A_402, %get3A_403] {strides = array<i32>} : memref<44x768xf32, #tpu.memory_space<vmem>>, vector<16xf32>,
        %add3A_405 = arith.addf %add3A_400, %get3A_404 : vector<16xf32>
        %get3A_406 = arith.constant 37 : i32
        %get3A_407 = arith.index_cast %get3A_406 : i32 to index
        %get3A_408 = arith.index_cast %mul3A_305 : i32 to index
        %get3A_409 = tpu.vector_load %arg14[%get3A_407, %get3A_408] {strides = array<i32>} : memref<44x768xf32, #tpu.memory_space<vmem>>, vector<16xf32>,
        %add3A_410 = arith.addf %add3A_405, %get3A_409 : vector<16xf32>
        %get3A_411 = arith.constant 41 : i32
        %get3A_412 = arith.index_cast %get3A_411 : i32 to index
        %get3A_413 = arith.index_cast %mul3A_305 : i32 to index
        %get3A_414 = tpu.vector_load %arg14[%get3A_412, %get3A_413] {strides = array<i32>} : memref<44x768xf32, #tpu.memory_space<vmem>>, vector<16xf32>,
        %add3A_415 = arith.addf %add3A_410, %get3A_414 : vector<16xf32>
        %add3A_416 = arith.constant 768 : i32
        %add3A_417 = arith.addi %add3A_416, %mul3A_305 : i32
        %swap3A_418 = arith.index_cast %add3A_417 : i32 to index
        %swap3A_419 = tpu.vector_load %arg16[%swap3A_418] {strides = array<i32>} : memref<3072xf32, #tpu.memory_space<vmem>>, vector<16xf32>,
        tpu.vector_store %arg16[%swap3A_418], %add3A_415 {strides = array<i32>} : memref<3072xf32, #tpu.memory_space<vmem>>, vector<16xf32>,
        %get3A_420 = arith.constant 18 : i32
        %get3A_421 = arith.index_cast %get3A_420 : i32 to index
        %get3A_422 = arith.index_cast %mul3A_305 : i32 to index
        %get3A_423 = tpu.vector_load %arg14[%get3A_421, %get3A_422] {strides = array<i32>} : memref<44x768xf32, #tpu.memory_space<vmem>>, vector<16xf32>,
        %get3A_424 = arith.constant 19 : i32
        %get3A_425 = arith.index_cast %get3A_424 : i32 to index
        %get3A_426 = arith.index_cast %mul3A_305 : i32 to index
        %get3A_427 = tpu.vector_load %arg14[%get3A_425, %get3A_426] {strides = array<i32>} : memref<44x768xf32, #tpu.memory_space<vmem>>, vector<16xf32>,
        %add3A_428 = arith.addf %get3A_423, %get3A_427 : vector<16xf32>
        %get3A_429 = arith.constant 20 : i32
        %get3A_430 = arith.index_cast %get3A_429 : i32 to index
        %get3A_431 = arith.index_cast %mul3A_305 : i32 to index
        %get3A_432 = tpu.vector_load %arg14[%get3A_430, %get3A_431] {strides = array<i32>} : memref<44x768xf32, #tpu.memory_space<vmem>>, vector<16xf32>,
        %add3A_433 = arith.addf %add3A_428, %get3A_432 : vector<16xf32>
        %get3A_434 = arith.constant 21 : i32
        %get3A_435 = arith.index_cast %get3A_434 : i32 to index
        %get3A_436 = arith.index_cast %mul3A_305 : i32 to index
        %get3A_437 = tpu.vector_load %arg14[%get3A_435, %get3A_436] {strides = array<i32>} : memref<44x768xf32, #tpu.memory_space<vmem>>, vector<16xf32>,
        %add3A_438 = arith.addf %add3A_433, %get3A_437 : vector<16xf32>
        %get3A_439 = arith.constant 22 : i32
        %get3A_440 = arith.index_cast %get3A_439 : i32 to index
        %get3A_441 = arith.index_cast %mul3A_305 : i32 to index
        %get3A_442 = tpu.vector_load %arg14[%get3A_440, %get3A_441] {strides = array<i32>} : memref<44x768xf32, #tpu.memory_space<vmem>>, vector<16xf32>,
        %add3A_443 = arith.addf %add3A_438, %get3A_442 : vector<16xf32>
        %get3A_444 = arith.constant 23 : i32
        %get3A_445 = arith.index_cast %get3A_444 : i32 to index
        %get3A_446 = arith.index_cast %mul3A_305 : i32 to index
        %get3A_447 = tpu.vector_load %arg14[%get3A_445, %get3A_446] {strides = array<i32>} : memref<44x768xf32, #tpu.memory_space<vmem>>, vector<16xf32>,
        %add3A_448 = arith.addf %add3A_443, %get3A_447 : vector<16xf32>
        %get3A_449 = arith.constant 24 : i32
        %get3A_450 = arith.index_cast %get3A_449 : i32 to index
        %get3A_451 = arith.index_cast %mul3A_305 : i32 to index
        %get3A_452 = tpu.vector_load %arg14[%get3A_450, %get3A_451] {strides = array<i32>} : memref<44x768xf32, #tpu.memory_space<vmem>>, vector<16xf32>,
        %add3A_453 = arith.addf %add3A_448, %get3A_452 : vector<16xf32>
        %get3A_454 = arith.constant 25 : i32
        %get3A_455 = arith.index_cast %get3A_454 : i32 to index
        %get3A_456 = arith.index_cast %mul3A_305 : i32 to index
        %get3A_457 = tpu.vector_load %arg14[%get3A_455, %get3A_456] {strides = array<i32>} : memref<44x768xf32, #tpu.memory_space<vmem>>, vector<16xf32>,
        %add3A_458 = arith.addf %add3A_453, %get3A_457 : vector<16xf32>
        %get3A_459 = arith.constant 26 : i32
        %get3A_460 = arith.index_cast %get3A_459 : i32 to index
        %get3A_461 = arith.index_cast %mul3A_305 : i32 to index
        %get3A_462 = tpu.vector_load %arg14[%get3A_460, %get3A_461] {strides = array<i32>} : memref<44x768xf32, #tpu.memory_space<vmem>>, vector<16xf32>,
        %add3A_463 = arith.addf %add3A_458, %get3A_462 : vector<16xf32>
        %get3A_464 = arith.constant 38 : i32
        %get3A_465 = arith.index_cast %get3A_464 : i32 to index
        %get3A_466 = arith.index_cast %mul3A_305 : i32 to index
        %get3A_467 = tpu.vector_load %arg14[%get3A_465, %get3A_466] {strides = array<i32>} : memref<44x768xf32, #tpu.memory_space<vmem>>, vector<16xf32>,
        %add3A_468 = arith.addf %add3A_463, %get3A_467 : vector<16xf32>
        %get3A_469 = arith.constant 42 : i32
        %get3A_470 = arith.index_cast %get3A_469 : i32 to index
        %get3A_471 = arith.index_cast %mul3A_305 : i32 to index
        %get3A_472 = tpu.vector_load %arg14[%get3A_470, %get3A_471] {strides = array<i32>} : memref<44x768xf32, #tpu.memory_space<vmem>>, vector<16xf32>,
        %add3A_473 = arith.addf %add3A_468, %get3A_472 : vector<16xf32>
        %add3A_474 = arith.constant 1536 : i32
        %add3A_475 = arith.addi %add3A_474, %mul3A_305 : i32
        %swap3A_476 = arith.index_cast %add3A_475 : i32 to index
        %swap3A_477 = tpu.vector_load %arg16[%swap3A_476] {strides = array<i32>} : memref<3072xf32, #tpu.memory_space<vmem>>, vector<16xf32>,
        tpu.vector_store %arg16[%swap3A_476], %add3A_473 {strides = array<i32>} : memref<3072xf32, #tpu.memory_space<vmem>>, vector<16xf32>,
        %get3A_478 = arith.constant 27 : i32
        %get3A_479 = arith.index_cast %get3A_478 : i32 to index
        %get3A_480 = arith.index_cast %mul3A_305 : i32 to index
        %get3A_481 = tpu.vector_load %arg14[%get3A_479, %get3A_480] {strides = array<i32>} : memref<44x768xf32, #tpu.memory_space<vmem>>, vector<16xf32>,
        %get3A_482 = arith.constant 28 : i32
        %get3A_483 = arith.index_cast %get3A_482 : i32 to index
        %get3A_484 = arith.index_cast %mul3A_305 : i32 to index
        %get3A_485 = tpu.vector_load %arg14[%get3A_483, %get3A_484] {strides = array<i32>} : memref<44x768xf32, #tpu.memory_space<vmem>>, vector<16xf32>,
        %add3A_486 = arith.addf %get3A_481, %get3A_485 : vector<16xf32>
        %get3A_487 = arith.constant 29 : i32
        %get3A_488 = arith.index_cast %get3A_487 : i32 to index
        %get3A_489 = arith.index_cast %mul3A_305 : i32 to index
        %get3A_490 = tpu.vector_load %arg14[%get3A_488, %get3A_489] {strides = array<i32>} : memref<44x768xf32, #tpu.memory_space<vmem>>, vector<16xf32>,
        %add3A_491 = arith.addf %add3A_486, %get3A_490 : vector<16xf32>
        %get3A_492 = arith.constant 30 : i32
        %get3A_493 = arith.index_cast %get3A_492 : i32 to index
        %get3A_494 = arith.index_cast %mul3A_305 : i32 to index
        %get3A_495 = tpu.vector_load %arg14[%get3A_493, %get3A_494] {strides = array<i32>} : memref<44x768xf32, #tpu.memory_space<vmem>>, vector<16xf32>,
        %add3A_496 = arith.addf %add3A_491, %get3A_495 : vector<16xf32>
        %get3A_497 = arith.constant 31 : i32
        %get3A_498 = arith.index_cast %get3A_497 : i32 to index
        %get3A_499 = arith.index_cast %mul3A_305 : i32 to index
        %get3A_500 = tpu.vector_load %arg14[%get3A_498, %get3A_499] {strides = array<i32>} : memref<44x768xf32, #tpu.memory_space<vmem>>, vector<16xf32>,
        %add3A_501 = arith.addf %add3A_496, %get3A_500 : vector<16xf32>
        %get3A_502 = arith.constant 32 : i32
        %get3A_503 = arith.index_cast %get3A_502 : i32 to index
        %get3A_504 = arith.index_cast %mul3A_305 : i32 to index
        %get3A_505 = tpu.vector_load %arg14[%get3A_503, %get3A_504] {strides = array<i32>} : memref<44x768xf32, #tpu.memory_space<vmem>>, vector<16xf32>,
        %add3A_506 = arith.addf %add3A_501, %get3A_505 : vector<16xf32>
        %get3A_507 = arith.constant 33 : i32
        %get3A_508 = arith.index_cast %get3A_507 : i32 to index
        %get3A_509 = arith.index_cast %mul3A_305 : i32 to index
        %get3A_510 = tpu.vector_load %arg14[%get3A_508, %get3A_509] {strides = array<i32>} : memref<44x768xf32, #tpu.memory_space<vmem>>, vector<16xf32>,
        %add3A_511 = arith.addf %add3A_506, %get3A_510 : vector<16xf32>
        %get3A_512 = arith.constant 34 : i32
        %get3A_513 = arith.index_cast %get3A_512 : i32 to index
        %get3A_514 = arith.index_cast %mul3A_305 : i32 to index
        %get3A_515 = tpu.vector_load %arg14[%get3A_513, %get3A_514] {strides = array<i32>} : memref<44x768xf32, #tpu.memory_space<vmem>>, vector<16xf32>,
        %add3A_516 = arith.addf %add3A_511, %get3A_515 : vector<16xf32>
        %get3A_517 = arith.constant 35 : i32
        %get3A_518 = arith.index_cast %get3A_517 : i32 to index
        %get3A_519 = arith.index_cast %mul3A_305 : i32 to index
        %get3A_520 = tpu.vector_load %arg14[%get3A_518, %get3A_519] {strides = array<i32>} : memref<44x768xf32, #tpu.memory_space<vmem>>, vector<16xf32>,
        %add3A_521 = arith.addf %add3A_516, %get3A_520 : vector<16xf32>
        %get3A_522 = arith.constant 39 : i32
        %get3A_523 = arith.index_cast %get3A_522 : i32 to index
        %get3A_524 = arith.index_cast %mul3A_305 : i32 to index
        %get3A_525 = tpu.vector_load %arg14[%get3A_523, %get3A_524] {strides = array<i32>} : memref<44x768xf32, #tpu.memory_space<vmem>>, vector<16xf32>,
        %add3A_526 = arith.addf %add3A_521, %get3A_525 : vector<16xf32>
        %get3A_527 = arith.constant 43 : i32
        %get3A_528 = arith.index_cast %get3A_527 : i32 to index
        %get3A_529 = arith.index_cast %mul3A_305 : i32 to index
        %get3A_530 = tpu.vector_load %arg14[%get3A_528, %get3A_529] {strides = array<i32>} : memref<44x768xf32, #tpu.memory_space<vmem>>, vector<16xf32>,
        %add3A_531 = arith.addf %add3A_526, %get3A_530 : vector<16xf32>
        %add3A_532 = arith.constant 2304 : i32
        %add3A_533 = arith.addi %add3A_532, %mul3A_305 : i32
        %swap3A_534 = arith.index_cast %add3A_533 : i32 to index
        %swap3A_535 = tpu.vector_load %arg16[%swap3A_534] {strides = array<i32>} : memref<3072xf32, #tpu.memory_space<vmem>>, vector<16xf32>,
        tpu.vector_store %arg16[%swap3A_534], %add3A_531 {strides = array<i32>} : memref<3072xf32, #tpu.memory_space<vmem>>, vector<16xf32>,
      }
      %scan3A_248 = arith.constant 48 : i32
      %mul3A_249 = arith.constant 8 : i32
      %mul3A_250 = arith.muli %add3A, %mul3A_249 : i32
      %jit3A_251 = arith.constant 32 : i32
      %div3A_252 = arith.divsi %add3A_183, %jit3A_251 : i32
      %sign3A_253 = arith.constant 0 : i32
      %sign3A_254 = arith.cmpi sgt, %add3A_183, %sign3A_253 : i32
      %sign3A_255 = arith.extui %sign3A_254 : i1 to i32
      %sign3A_256 = arith.constant 0 : i32
      %sign3A_257 = arith.cmpi slt, %add3A_183, %sign3A_256 : i32
      %sign3A_258 = arith.extui %sign3A_257 : i1 to i32
      %sign3A_259 = arith.subi %sign3A_255, %sign3A_258 : i32
      %sign3A_260 = arith.constant 0 : i32
      %sign3A_261 = arith.cmpi sgt, %jit3A_251, %sign3A_260 : i32
      %sign3A_262 = arith.extui %sign3A_261 : i1 to i32
      %sign3A_263 = arith.constant 0 : i32
      %sign3A_264 = arith.cmpi slt, %jit3A_251, %sign3A_263 : i32
      %sign3A_265 = arith.extui %sign3A_264 : i1 to i32
      %sign3A_266 = arith.subi %sign3A_262, %sign3A_265 : i32
      %ne3A_267 = arith.cmpi ne, %sign3A_259, %sign3A_266 : i32
      %rem3A_268 = arith.remsi %add3A_183, %jit3A_251 : i32
      %ne3A_269 = arith.constant 0 : i32
      %ne3A_270 = arith.cmpi ne, %rem3A_268, %ne3A_269 : i32
      %and3A_271 = arith.andi %ne3A_267, %ne3A_270 : i1
      %sub3A_272 = arith.constant 1 : i32
      %sub3A_273 = arith.subi %div3A_252, %sub3A_272 : i32
      %select_n3A_274 = arith.select %and3A_271, %sub3A_273, %div3A_252 : i32
      %add3A_275 = arith.addi %mul3A_250, %select_n3A_274 : i32
      %mul3A_276 = arith.constant 129 : i32
      %mul3A_277 = arith.muli %add3A_275, %mul3A_276 : i32
      %add3A_278 = arith.constant 1 : i32
      %add3A_279 = arith.addi %mul3A_277, %add3A_278 : i32
      %jit3A_280 = arith.constant 32 : i32
      %eq3A_281 = arith.constant 0 : i32
      %eq3A_282 = arith.cmpi eq, %jit3A_280, %eq3A_281 : i32
      %jit3A_283 = arith.constant 1 : i32
      %select_n3A_284 = arith.select %eq3A_282, %jit3A_283, %jit3A_280 : i32
      %rem3A_285 = arith.remsi %add3A_183, %select_n3A_284 : i32
      %ne3A_286 = arith.constant 0 : i32
      %ne3A_287 = arith.cmpi ne, %rem3A_285, %ne3A_286 : i32
      %lt3A_288 = arith.constant 0 : i32
      %lt3A_289 = arith.cmpi slt, %rem3A_285, %lt3A_288 : i32
      %lt3A_290 = arith.constant 0 : i32
      %lt3A_291 = arith.cmpi slt, %select_n3A_284, %lt3A_290 : i32
      %ne3A_292 = arith.xori %lt3A_289, %lt3A_291 : i1
      %and3A_293 = arith.andi %ne3A_292, %ne3A_287 : i1
      %add3A_294 = arith.addi %rem3A_285, %select_n3A_284 : i32
      %select_n3A_295 = arith.select %and3A_293, %add3A_294, %rem3A_285 : i32
      %mul3A_296 = arith.constant 4 : i32
      %mul3A_297 = arith.muli %mul3A_296, %select_n3A_295 : i32
      %add3A_298 = arith.addi %add3A_279, %mul3A_297 : i32
      %mul3A_299 = arith.constant 768 : i32
      %mul3A_300 = arith.muli %add3A_298, %mul3A_299 : i32
      %dma_start3A_301 = tpu.memref_slice %arg9[%mul3A_300] : memref<25362432xf32, #tpu.memory_space<hbm>> -> memref<3072xf32, #tpu.memory_space<hbm>>
      %dma_start3A_302 = tpu.memref_slice %arg9[%mul3A_300] : memref<25362432xf32, #tpu.memory_space<hbm>> -> memref<3072xf32, #tpu.memory_space<hbm>>
      tpu.enqueue_dma source(%arg16 : memref<3072xf32, #tpu.memory_space<vmem>>) target(%dma_start3A_302 : memref<3072xf32, #tpu.memory_space<hbm>>) target_semaphore(%arg21 : memref<!tpu.dma_semaphore, #tpu.memory_space<semaphore_mem>>)
    }
    %scan3A_61 = arith.constant 128 : i32
    %dma_wait3A = arith.constant 0 : i32
    %dma_wait3A_62 = tpu.memref_slice %arg9[%dma_wait3A] : memref<25362432xf32, #tpu.memory_space<hbm>> -> memref<3072xf32, #tpu.memory_space<hbm>>
    %dma_wait3A_63 = arith.constant 0 : i32
    %dma_wait3A_64 = tpu.memref_slice %arg9[%dma_wait3A_63] : memref<25362432xf32, #tpu.memory_space<hbm>> -> memref<3072xf32, #tpu.memory_space<hbm>>
    tpu.wait_dma2 semaphore(%arg20 : memref<!tpu.dma_semaphore, #tpu.memory_space<semaphore_mem>>) src(%arg15 : memref<3072xf32, #tpu.memory_space<vmem>>) dst(%dma_wait3A_64 : memref<3072xf32, #tpu.memory_space<hbm>>)
    %dma_wait3A_65 = arith.constant 0 : i32
    %dma_wait3A_66 = tpu.memref_slice %arg9[%dma_wait3A_65] : memref<25362432xf32, #tpu.memory_space<hbm>> -> memref<3072xf32, #tpu.memory_space<hbm>>
    %dma_wait3A_67 = arith.constant 0 : i32
    %dma_wait3A_68 = tpu.memref_slice %arg9[%dma_wait3A_67] : memref<25362432xf32, #tpu.memory_space<hbm>> -> memref<3072xf32, #tpu.memory_space<hbm>>
    tpu.wait_dma2 semaphore(%arg21 : memref<!tpu.dma_semaphore, #tpu.memory_space<semaphore_mem>>) src(%arg16 : memref<3072xf32, #tpu.memory_space<vmem>>) dst(%dma_wait3A_68 : memref<3072xf32, #tpu.memory_space<hbm>>)
    return
  }
}

</mosaic_0001>

<sc_bundles>
// kernel: _run.3.cloned.1.call-start
scs
__scs_entry_jumppad:
0x0: {  	(pc) =	sbr.rel $0x88, $3  }
0x1: {  	(tag) =	ssettag $0x0;
	lr =	simm.s32 $0x1  }
0x2: {  	[smem:$0x3F9A] =	sst lr;
	_ =	strace $0xD0000000  }
0x3: {  	_ = 	snop  }
0x4: {  	_ = 	snop  }
0x5: {  	_ = 	snop  }
0x6: {  	_ = 	snop  }
0x7: {  	_ = 	snop  }
__scs_overlays_trampoline_lowered:
0x8: {  	[smem:$0x3FA9] =	sst s0  }
0x9: {  	[smem:$0x3FAA] =	sst s1  }
0xa: {  	[smem:$0x3FAB] =	sst s2  }
0xb: {  	[smem:$0x3FAC] =	sst s3  }
0xc: {  	[smem:$0x3FAD] =	sst s4  }
0xd: {  	[smem:$0x3FAE] =	sst s5  }
0xe: {  	[smem:$0x3FAF] =	sst s6  }
0xf: {  	[smem:$0x3FB0] =	sst s7  }
0x10: {  	[smem:$0x3FB1] =	sst s8  }
0x11: {  	[smem:$0x3FB2] =	sst s9;
	s0 =	simm.s32 @!p0 $0x0  }
0x12: {  	s1 =	sld [smem:$0x3F98];
	s0 =	simm.s32 @p0 $0x1  }
0x13: {  	[smem:$0x3FB3] =	sst s0;
	s0 =	simm.s32 @!p1 $0x0  }
0x14: {  	s2 =	sld [smem:$0x3F97];
	s0 =	simm.s32 @p1 $0x1  }
0x15: {  	[smem:$0x3FB4] =	sst s0;
	s0 =	simm.s32 @!p2 $0x0  }
0x16: {  	s3 =	sld [smem:$0x3FDB];
	s0 =	simm.s32 @p2 $0x1  }
0x17: {  	s4 =	simm.s32 $0x1BF5;
	[smem:$0x3FB6] =	sst s0  }
0x18: {  	s0 =	sld [smem:$0x3F99];
	_ =	swait.ge [sflag:s4], $0x0  }
0x19: {  	s7 =	sld [smem:$0x3F9A]  }
0x1a: {  	s8 =	sadd.s32 $0xFFFFE003, lr  }
0x1b: {  	s9 =	sadd.s32 $0xFFFFFEF7, lr;
	s5 =	simm.s32 $0xFFFFFFFF;
	p2 =	slt.u32 s8, $0xFFFFF086  }
0x1c: {  	p1 =	slt.u32 s9, $0xF7A;
	s5 =	simm.s32 @!p2 $0x0  }
0x1d: {  	s5 =	simm.s32 @p1 $0x1;
	p0 =	seq.s32 s7, s2  }
0x1e: {  	s7 =	smul.u32 @!p0 $0xF7A, s2;
	p2 =	seq.s32 @!p0 s5, $0x0  }
0x1f: {  	s9 =	smul.u32 $0xF7A, s1;
	s8 =	simm.s32 @!p0 $0x1BF5;
	p2 =	por !p2, p0  }
0x20: {  	[sflag:s8] =	ssyncset.s32 @!p0 $0xFFFFF086;
	s6 =	sadd.s32 @!p0 s3, s7;
	s7 =	simm.s32 @!p0 $0x108  }
0x21: {  	s3 =	sadd.s32 s3, s9;
	s6 =	sadd.s32 @!p0 $0x88, s6;
	s7 =	simm.s32 @p2 $0x1082  }
0x22: {  	[simem:s7], [sflag:s8] =	dma.local @!p0 [hbm:s6], $0xF7A  }
0x23: {  	s9 =	sor.u32 $0xD0000000, s2;
	s6 =	simm.s32 $0x108;
	_ =	swait.ge @!p0 [sflag:s8], $0x0  }
0x24: {  	s3 =	sadd.s32 $0x88, s3;
	s6 =	simm.s32 @!p1 $0x1082;
	[sflag:s4] =	ssyncset.s32 $0xFFFFF086  }
0x25: {  	[simem:s6], [sflag:s4] =	dma.local [hbm:s3], $0xF7A  }
0x26: {  	[smem:$0x3F9A] =	sst s1;
	(tag) =	ssettag s2;
	_ =	strace s9  }
0x27: {  	s1 =	sld [smem:$0x3FAA]  }
0x28: {  	s2 =	sld [smem:$0x3FAB]  }
0x29: {  	s4 =	sld [smem:$0x3FAD]  }
0x2a: {  	p0 =	seq.s32 s5, $0x0;
	s5 =	sld [smem:$0x3FAE]  }
0x2b: {  	s6 =	sld [smem:$0x3FAF]  }
0x2c: {  	s7 =	sld [smem:$0x3FB0]  }
0x2d: {  	s3 =	simm.s32 $0x108;
	s8 =	sld [smem:$0x3FB1]  }
0x2e: {  	s3 =	simm.s32 @!p0 $0x1082;
	s9 =	sld [smem:$0x3FB2]  }
0x2f: {  	lr =	sadd.s32 s0, s3;
	s0 =	sld [smem:$0x3FA9]  }
0x30: {  	s3 =	sld [smem:$0x3FAC]  }
0x31: {  	[smem:$0x3FB5] =	sst s10  }
0x32: {  	s10 =	sld [smem:$0x3FB3];
	_ =	sdelay $0x3  }
0x33: {  	p0 =	seq.s32 s10, $0x1;
	s10 =	sld [smem:$0x3FB5];
	_ =	sdelay $0x3  }
0x34: {  	[smem:$0x3FB5] =	sst s10  }
0x35: {  	s10 =	sld [smem:$0x3FB4];
	_ =	sdelay $0x3  }
0x36: {  	p1 =	seq.s32 s10, $0x1;
	s10 =	sld [smem:$0x3FB5];
	_ =	sdelay $0x3  }
0x37: {  	[smem:$0x3FB5] =	sst s10  }
0x38: {  	s10 =	sld [smem:$0x3FB6]  }
0x39: {  	_ = 	snop;
	(pc) =	sbr.ind lr, $3  }
0x3a: {  	_ = 	snop  }
0x3b: {  	_ = 	snop  }
0x3c: {  	p2 =	seq.s32 s10, $0x1;
	s10 =	sld [smem:$0x3FB5]  }
0x3d: {  	_ =	shalt  }
0x3e: {  	_ =	shalt  }
0x3f: {  	_ =	shalt  }
0x40: {  	_ =	shalt  }
0x41: {  	_ =	shalt  }
0x42: {  	_ =	shalt  }
0x43: {  	_ =	shalt  }
0x44: {  	_ =	shalt  }
0x45: {  	_ =	shalt  }
0x46: {  	_ =	shalt  }
0x47: {  	_ =	shalt  }
0x48: {  	_ =	shalt  }
0x49: {  	_ =	shalt  }
0x4a: {  	_ =	shalt  }
0x4b: {  	_ =	shalt  }
0x4c: {  	_ =	shalt  }
0x4d: {  	_ =	shalt  }
0x4e: {  	_ =	shalt  }
0x4f: {  	_ =	shalt  }
0x50: {  	_ =	shalt  }
0x51: {  	_ =	shalt  }
0x52: {  	_ =	shalt  }
0x53: {  	_ =	shalt  }
0x54: {  	_ =	shalt  }
0x55: {  	_ =	shalt  }
0x56: {  	_ =	shalt  }
0x57: {  	_ =	shalt  }
0x58: {  	_ =	shalt  }
0x59: {  	_ =	shalt  }
0x5a: {  	_ =	shalt  }
0x5b: {  	_ =	shalt  }
0x5c: {  	_ =	shalt  }
0x5d: {  	_ =	shalt  }
0x5e: {  	_ =	shalt  }
0x5f: {  	_ =	shalt  }
0x60: {  	_ =	shalt  }
0x61: {  	_ =	shalt  }
0x62: {  	_ =	shalt  }
0x63: {  	_ =	shalt  }
0x64: {  	_ =	shalt  }
0x65: {  	_ =	shalt  }
0x66: {  	_ =	shalt  }
0x67: {  	_ =	shalt  }
0x68: {  	_ =	shalt  }
0x69: {  	_ =	shalt  }
0x6a: {  	_ =	shalt  }
0x6b: {  	_ =	shalt  }
0x6c: {  	_ =	shalt  }
0x6d: {  	_ =	shalt  }
0x6e: {  	_ =	shalt  }
0x6f: {  	_ =	shalt  }
0x70: {  	_ =	shalt  }
0x71: {  	_ =	shalt  }
0x72: {  	_ =	shalt  }
0x73: {  	_ =	shalt  }
0x74: {  	_ =	shalt  }
0x75: {  	_ =	shalt  }
0x76: {  	_ =	shalt  }
0x77: {  	_ =	shalt  }
0x78: {  	_ =	shalt  }
0x79: {  	_ =	shalt  }
0x7a: {  	_ =	shalt  }
0x7b: {  	_ =	shalt  }
0x7c: {  	_ =	shalt  }
0x7d: {  	_ =	shalt  }
0x7e: {  	_ =	shalt  }
0x7f: {  	_ =	shalt  }
0x80: {  	_ =	shalt  }
0x81: {  	_ =	shalt  }
0x82: {  	_ =	shalt  }
0x83: {  	_ =	shalt  }
0x84: {  	_ =	shalt  }
0x85: {  	_ =	shalt  }
0x86: {  	_ =	shalt  }
0x87: {  	_ =	shalt  }
.Lfunc_end0:
.L_simem_size_0:
called_computation_lowered:
.L_overlay_start_0:
0x88: {  	s2 =	sld [smem:$0x3FD9]  }
0x89: {  	s3 =	sld [smem:$0x3FFE];
	_ =	sdelay $0x1  }
0x8a: {  	s1 =	srdreg.scid  }
0x8b: {  	s0 =	sand.u32 $0x1, s1  }
0x8c: {  	s17 =	sshll.u32 s0, $0xA;
	s2 =	sadd.s32 s3, s2  }
0x8d: {  	s2 =	sadd.s32 s2, s17  }
0x8e: {  	[smem:$0x3FC1] =	sst s2  }
0x8f: {  	_ = 	snop  }
0x90: {  	s2 =	sld [smem:$0x3FC3]  }
0x91: {  	s18 =	sld [smem:$0x3FD0];
	(tm) =	ssettm $0x1  }
0x92: {  	s4 =	sld [smem:$0x3FFB];
	_ =	sdelay $0x3  }
0x93: {  	_ =	strace s4  }
0x94: {  	s4 =	sld [smem:$0x3FFC];
	_ =	sdelay $0x3  }
0x95: {  	_ =	strace s4  }
0x96: {  	s4 =	sld [smem:$0x3FFD];
	_ =	sdelay $0x3  }
0x97: {  	_ =	strace s4  }
0x98: {  	_ =	strace $0x8FFFFFFF  }
0x99: {  	s19 =	sld [smem:$0x3FDB];
	_ =	sdelay $0x1  }
0x9a: {  	s5 =	simm.s32 $_scs_section_size  }
0x9b: {  	s6 =	simm.s32 $_size__tile_overlayer_lowered;
	s7 =	simm.s32 $_tile_overlayer_lowered  }
0x9c: {  	s22 =	simm.s32 $0x1BFF;
	s21 =	sshll.u32 s7, $0x1;
	s4 =	sadd.s32 s5, s19  }
0x9d: {  	s8 =	simm.s32 $0x0;
	s20 =	sshll.u32 s6, $0x1;
	s6 =	sadd.s32 s21, s4  }
0x9e: {  	[timem:s8], [sflag:s22] =	dma.local [hbm:s6], s20  }
0x9f: {  	_ =	swait.ge [sflag:s22], s20  }
0xa0: {  	s5 =	ssub.s32 $0x0, s20;
	[sflag:s22] =	ssyncset.done $0x0  }
0xa1: {  	[sflag:s22] =	ssyncadd.s32 s5;
	_ =	sdelay $0x1  }
0xa2: {  	s23 =	simm.s32 $0x1B8B  }
0xa3: {  	_ =	swait.ge [sflag:s23], $0x1  }
0xa4: {  	[sflag:s23] =	ssyncset.done $0x0  }
0xa5: {  	s25 =	simm.s32 $0x1B8E;
	s24 =	sld [smem:$0x3FFE];
	[sflag:s23] =	ssyncadd.s32 $0xFFFFFFFF  }
0xa6: {  	s26 =	simm.s32 $execute0_lowered;
	[smem:$0x3FD2] =	sst s25  }
0xa7: {  	s6 =	sshll.u32 s26, $0x1;
	_ =	strace $0x80000046;
	[dreg:$0x1] =	wrdreg $0xFFFFFFFF  }
0xa8: {  	s28 =	simm.s32 $_size_execute0_lowered;
	s4 =	sadd.s32 s4, s6;
	[dreg:$0x0] =	wrdreg $0x0  }
0xa9: {  	s6 =	sshll.u32 s28, $0x1;
	[dreg:$0x2] =	wrdreg s4  }
0xaa: {  	[dreg:$0x3] =	wrdreg s6  }
0xab: {  	[dreg:$0x4] =	wrdreg $0xC0  }
0xac: {  	_ =	task [dreg:s8], $0x5FFFF  }
0xad: {  	[dreg:$0x1] =	wrdreg $0xFFFFFFFF  }
0xae: {  	[dreg:$0x0] =	wrdreg $0x60  }
0xaf: {  	[dreg:$0x2] =	wrdreg s24  }
0xb0: {  	[dreg:$0x3] =	wrdreg s2  }
0xb1: {  	[dreg:$0x4] =	wrdreg s18  }
0xb2: {  	[dreg:$0x5] =	wrdreg $0x9  }
0xb3: {  	_ =	task.clear_ibuf [dreg:s8], $0x6FFFF;
	_ =	strace $0x90000046  }
0xb4: {  	s29 =	simm.s32 $0x9;
	_ =	strace $0x80000048  }
0xb5: {  	_ =	swait.ge [sflag:s29], $0x1  }
0xb6: {  	[sflag:s29] =	ssyncadd.s32 $0xFFFFFFFF  }
0xb7: {  	_ =	strace $0x90000048  }
0xb8: {  	_ =	sfence  }
0xb9: {  	s30 =	sld [smem:$0x0];
	_ =	sdelay $0x2  }
0xba: {  	s31 =	sshll.u32 s1, $0xD;
	s1 =	sshrl.u32 s1, $0x2  }
0xbb: {  	s3 =	sand.u32 $0x4000, s31;
	s1 =	sadd.s32 s1, s30  }
0xbc: {  	s0 =	sor.u32 s3, s0;
	s1 =	sshll.u32 s1, $0x11  }
0xbd: {  	s0 =	sor.u32 s1, s0  }
0xbe: {  	s0 =	sadd.s32 $0x8F2B, s0  }
0xbf: {  	[sflag:s0] =	ssyncadd.remote.s32 $0x1  }
0xc0: {  	_ =	sfence.sel $0xFFFF  }
0xc1: {  	[dreg:$0x0] =	wrdreg $0xFFFFFFFF;
	(pc) =	sbr.abs _section_cstart, $3  }
0xc2: {  	[dreg:$0x1] =	wrdreg $0xFFFFFFFF  }
0xc3: {  	_ =	task.clear_ibuf [dreg:s8], $0x2FFFF;
	_ =	strace $0x9FFFFFFF  }
0xc4: {  	(tm) =	ssettm $0x7FFFFFFF  }
0xc5: {  	_ =	shalt  }
tec
execute0_lowered:
.L_overlay_start_1:
0x0: {  	(tag) =	ssettag $0x1  }
0x1: {  	s0 =	rddreg [dreg:$0x0]  }
0x2: {  	s2 =	rddreg [dreg:$0x2];
	s4 =	simm.s32 $0x0;
	s1 =	srdreg.scid  }
0x3: {  	s3 =	stileid.u32;
	s28 =	simm.s32 $0x4;
	s31 =	simm.s32 $0xBC00  }
0x4: {  	s29 =	simm.s32 $0x2;
	s30 =	simm.s32 $0x14C00;
	[smem:$0x7FF] =	sst s4  }
0x5: {  	s1 =	sand.u32 $0x1, s1;
	s3 =	sshll.u32 s3, $0x4;
	s5 =	sadd.s32 $0x27C00, s0  }
0x6: {  	s6 =	sadd.s32 $0x1C00, s0;
	s8 =	sadd.s32 $0xDC00, s0;
	s7 =	sshll.u32 s1, $0x3  }
0x7: {  	_ =	strace $0x80000047;
	s1 =	ssub.s32 $0x2, s1;
	s7 =	sor.u32 s7, s3  }
0x8: {  	s10 =	sshrl.u32 s1, $0x1;
	s3 =	smul.u32 $0xA0, s7;
	s9 =	sshll.u32 s7, $0x5  }
0x9: {  	s11 =	smul.u32 $0x3060, s7;
	s1 =	ssub.s32 s1, s10;
	s10 =	simm.s32 $0x0  }
0xa: {  	s22 =	smax.u32 s1, $0x1;
	s1 =	simm.s32 $0x1;
	s3 =	sadd.s32 s3, s0  }
0xb: {  	s0 =	sadd.s32 s9, s0;
	[dreg:$0x7] =	wrdreg s22;
	s3 =	sadd.s32 $0x19C00, s3  }
0xc: {  	s11 =	sadd.s32 s2, s11;
	s21 =	sadd.s32 $0x23C00, s0;
	[dreg:$0x4] =	wrdreg s3  }
0xd: {  	s22 =	simm.s32 $0x5;
	s0 =	sadd.s32 $0x25C00, s0;
	[dreg:$0x5] =	wrdreg s21  }
0xe: {  	s9 =	simm.s32 $0x3;
	s23 =	sadd.s32 $0x3060, s11;
	[dreg:$0x6] =	wrdreg s0  }
0xf: {  	s24 =	sadd.s32 $0x60C0, s11;
	s25 =	sadd.s32 $0x9120, s11;
	[dreg:$0x8] =	wrdreg s23  }
0x10: {  	s26 =	sadd.s32 $0xC180, s11;
	s18 =	sadd.s32 $0xF1E0, s11;
	[dreg:$0x9] =	wrdreg s24  }
0x11: {  	s19 =	sadd.s32 $0x12240, s11;
	s20 =	sadd.s32 $0x152A0, s11;
	[dreg:$0xa] =	wrdreg s25  }
0x12: {  	[dreg:$0xb] =	wrdreg s26;
	s21 =	simm.s32 $0x15800;
	s25 =	simm.s32 $0x24  }
0x13: {  	s0 =	simm.s32 $0x12800;
	s3 =	simm.s32 $0x13400;
	s26 =	simm.s32 $0x14000  }
.LBB2_1:
0x14: {  	s12 =	rddreg [dreg:$0x1]  }
0x15: {  	[tilespmem:s21], [sflag:$0x5] =	stream.linear.gather [hbm4b:s12+s4], $0x300, $0x38;
	[tilespmem:$0x15B00] =	vst v63  }
0x16: {  	_ =	swait.ge [sflag:s22], $0x300  }
0x17: {  	[sflag:s22] =	ssyncset.done $0x0  }
0x18: {  	s15 =	rddreg [dreg:$0x4];
	[sflag:s22] =	ssyncadd.s32 $0xFFFFFD00  }
0x19: {  	[tilespmem:s4], [sflag:$0x5] =	stream.linear.gather [hbm4b:s15+s4], $0x2800, $0x38;
	[tilespmem:$0x15B00] =	vst v63  }
0x1a: {  	_ =	swait.ge [sflag:s22], $0x2800  }
0x1b: {  	[sflag:s22] =	ssyncset.done $0x0  }
0x1c: {  	s13 =	simm.s32 $0x2800;
	s16 =	rddreg [dreg:$0x5];
	[sflag:s22] =	ssyncadd.s32 $0xFFFFD800  }
0x1d: {  	[tilespmem:s13], [sflag:$0x5] =	stream.linear.gather [hbm4b:s16+s4], $0x800, $0x38;
	[tilespmem:$0x15B00] =	vst v63  }
0x1e: {  	_ =	swait.ge [sflag:s22], $0x800  }
0x1f: {  	[sflag:s22] =	ssyncset.done $0x0  }
0x20: {  	s14 =	simm.s32 $0x3000;
	s17 =	rddreg [dreg:$0x6];
	[sflag:s22] =	ssyncadd.s32 $0xFFFFF800  }
0x21: {  	[tilespmem:s14], [sflag:$0x5] =	stream.linear.gather [hbm4b:s17+s4], $0x800, $0x38;
	[tilespmem:$0x15B00] =	vst v63  }
0x22: {  	_ =	swait.ge [sflag:s22], $0x800  }
0x23: {  	[sflag:s22] =	ssyncset.done $0x0  }
0x24: {  	[sflag:s22] =	ssyncadd.s32 $0xFFFFF800  }
0x25: {  	[hbm4b:s11+s4] =	stream.linear.scatter [tilespmem:s21], [sflag:$0x5], $0x300, $0x38;
	[tilespmem:$0x15B00] =	vst v63  }
0x26: {  	_ =	swait.ge [sflag:s22], $0x300  }
0x27: {  	[sflag:s22] =	ssyncset.done $0x0  }
0x28: {  	s23 =	rddreg [dreg:$0x8];
	[sflag:s22] =	ssyncadd.s32 $0xFFFFFD00  }
0x29: {  	[hbm4b:s23+s4] =	stream.linear.scatter [tilespmem:s21], [sflag:$0x5], $0x300, $0x38;
	[tilespmem:$0x15B00] =	vst v63  }
0x2a: {  	_ =	swait.ge [sflag:s22], $0x300  }
0x2b: {  	[sflag:s22] =	ssyncset.done $0x0  }
0x2c: {  	s24 =	rddreg [dreg:$0x9];
	[sflag:s22] =	ssyncadd.s32 $0xFFFFFD00  }
0x2d: {  	[hbm4b:s24+s4] =	stream.linear.scatter [tilespmem:s21], [sflag:$0x5], $0x300, $0x38;
	[tilespmem:$0x15B00] =	vst v63  }
0x2e: {  	_ =	swait.ge [sflag:s22], $0x300  }
0x2f: {  	[sflag:s22] =	ssyncset.done $0x0  }
0x30: {  	s15 =	rddreg [dreg:$0xa];
	[sflag:s22] =	ssyncadd.s32 $0xFFFFFD00  }
0x31: {  	[hbm4b:s15+s4] =	stream.linear.scatter [tilespmem:s21], [sflag:$0x5], $0x300, $0x38;
	[tilespmem:$0x15B00] =	vst v63  }
0x32: {  	_ =	swait.ge [sflag:s22], $0x300  }
0x33: {  	[sflag:s22] =	ssyncset.done $0x0  }
0x34: {  	s16 =	rddreg [dreg:$0xb];
	[sflag:s22] =	ssyncadd.s32 $0xFFFFFD00  }
0x35: {  	[hbm4b:s16+s4] =	stream.linear.scatter [tilespmem:s21], [sflag:$0x5], $0x300, $0x38;
	[tilespmem:$0x15B00] =	vst v63  }
0x36: {  	_ =	swait.ge [sflag:s22], $0x300  }
0x37: {  	[sflag:s22] =	ssyncset.done $0x0  }
0x38: {  	[sflag:s22] =	ssyncadd.s32 $0xFFFFFD00  }
0x39: {  	[hbm4b:s18+s4] =	stream.linear.scatter [tilespmem:s21], [sflag:$0x5], $0x300, $0x38;
	[tilespmem:$0x15B00] =	vst v63  }
0x3a: {  	_ =	swait.ge [sflag:s22], $0x300  }
0x3b: {  	[sflag:s22] =	ssyncset.done $0x0  }
0x3c: {  	[sflag:s22] =	ssyncadd.s32 $0xFFFFFD00  }
0x3d: {  	[hbm4b:s19+s4] =	stream.linear.scatter [tilespmem:s21], [sflag:$0x5], $0x300, $0x38;
	[tilespmem:$0x15B00] =	vst v63  }
0x3e: {  	_ =	swait.ge [sflag:s22], $0x300  }
0x3f: {  	[sflag:s22] =	ssyncset.done $0x0  }
0x40: {  	[sflag:s22] =	ssyncadd.s32 $0xFFFFFD00  }
0x41: {  	[hbm4b:s20+s4] =	stream.linear.scatter [tilespmem:s21], [sflag:$0x5], $0x300, $0x38;
	[tilespmem:$0x15B00] =	vst v63  }
0x42: {  	_ =	swait.ge [sflag:s22], $0x300  }
0x43: {  	[sflag:s22] =	ssyncset.done $0x0  }
0x44: {  	s17 =	simm.s32 $0x3800;
	[sflag:s22] =	ssyncadd.s32 $0xFFFFFD00  }
0x45: {  	[tilespmem:s17], [sflag:$0x1] =	stream.indirect.gather [hbm4b:s5+s25], $0x300, s4, s25, $0xb8;
	[tilespmem:$0x15B00] =	vst v63  }
0x46: {  	s23 =	simm.s32 $0xA400  }
0x47: {  	[tilespmem:s23], [sflag:$0x1] =	stream.indirect.gather [hbm4b:s6+s28], $0x300, s13, s28, $0xb8;
	[tilespmem:$0x15B00] =	vst v63  }
0x48: {  	s24 =	simm.s32 $0xB000;
	s23 =	simm.s32 $0x0  }
0x49: {  	[tilespmem:s24], [sflag:$0x1] =	stream.indirect.gather [hbm4b:s8+s28], $0x300, s14, s28, $0xb8;
	[tilespmem:$0x15B00] =	vst v63  }
.LBB2_2:
0x4a: {  	s24 =	sshllo.u32 s23, $0x1;
	s12 =	sshrl.u32 s23, $0x4  }
0x4b: {  	s13 =	sand.u32 $0x1F, s24;
	s14 =	smul.u32 $0x1400, s12  }
0x4c: {  	s15 =	smul.u32 $0xA0, s13  }
0x4d: {  	s17 =	sshll.u32 s12, $0x8  }
0x4e: {  	s13 =	sshll.u32 s13, $0x3;
	s14 =	sshra.s32 s14, $0x2;
	s15 =	sshrl.u32 s15, $0x2  }
0x4f: {  	s13 =	sor.u32 s13, s17;
	s14 =	sadd.s32 s15, s14  }
0x50: {  	[tilespmem:s31], [sflag:$0x2] =	stream.indirect.gather [hbm4b:s5+s25], $0x300, s14, s25, $0xb8;
	[tilespmem:$0x15B00] =	vst v63  }
0x51: {  	s14 =	sadd.s32 $0x2800, s13  }
0x52: {  	[tilespmem:s0], [sflag:$0x2] =	stream.indirect.gather [hbm4b:s6+s28], $0x300, s14, s28, $0xb8;
	[tilespmem:$0x15B00] =	vst v63  }
0x53: {  	s13 =	sadd.s32 $0x3000, s13  }
0x54: {  	[tilespmem:s3], [sflag:$0x2] =	stream.indirect.gather [hbm4b:s8+s28], $0x300, s13, s28, $0xb8;
	[tilespmem:$0x15B00] =	vst v63  }
0x55: {  	_ =	swait.ge [sflag:s1], $0x6C00  }
0x56: {  	[sflag:s1] =	ssyncset.done $0x0  }
0x57: {  	[sflag:s1] =	ssyncadd.s32 $0xFFFF9400  }
0x58: {  	_ =	swait.ge [sflag:s1], $0xC00  }
0x59: {  	[sflag:s1] =	ssyncset.done $0x0  }
0x5a: {  	[sflag:s1] =	ssyncadd.s32 $0xFFFFF400  }
0x5b: {  	_ =	swait.ge [sflag:s1], $0xC00  }
0x5c: {  	p0 =	seq.s32 s23, $0x0;
	[sflag:s1] =	ssyncset.done $0x0  }
0x5d: {  	s13 =	simm.s32 @!p0 $0x3;
	[sflag:s1] =	ssyncadd.s32 $0xFFFFF400  }
0x5e: {  	_ =	swait.ge @!p0 [sflag:s13], $0xC00  }
0x5f: {  	[sflag:s13] =	ssyncset.done @!p0 $0x0  }
0x60: {  	s14 =	simm.s32 $0x0;
	[sflag:s13] =	ssyncadd.s32 @!p0 $0xFFFFF400  }
0x61: {  	v0 =	vld [tilespmem:s14+$0x8900]  }
0x62: {  	v1 =	vld [tilespmem:s14+$0x8C00]  }
0x63: {  	v2 =	vld [tilespmem:s14+$0x3800]  }
0x64: {  	v3 =	vld [tilespmem:s14+$0x8F00]  }
0x65: {  	v4 =	vld [tilespmem:s14+$0x3B00]  }
0x66: {  	v5 =	vld [tilespmem:s14+$0x9200]  }
0x67: {  	v6 =	vld [tilespmem:s14+$0x5300]  }
0x68: {  	v7 =	vld [tilespmem:s14+$0x5600]  }
0x69: {  	v8 =	vld [tilespmem:s14+$0x6E00]  }
0x6a: {  	v9 =	vld [tilespmem:s14+$0x7100]  }
0x6b: {  	v10 =	vld [tilespmem:s14+$0x3E00]  }
0x6c: {  	v11 =	vld [tilespmem:s14+$0x5900];
	v0 =	vadd.f32 v1, v0  }
0x6d: {  	v1 =	vld [tilespmem:s14+$0x9500]  }
0x6e: {  	v12 =	vld [tilespmem:s14+$0x7400];
	v0 =	vadd.f32 v3, v0  }
0x6f: {  	v3 =	vld [tilespmem:s14+$0x9800]  }
0x70: {  	v13 =	vld [tilespmem:s14+$0x4100];
	v0 =	vadd.f32 v5, v0  }
0x71: {  	v5 =	vld [tilespmem:s14+$0x9B00]  }
0x72: {  	v14 =	vld [tilespmem:s14+$0x7700];
	v0 =	vadd.f32 v1, v0  }
0x73: {  	v1 =	vld [tilespmem:s14+$0x9E00]  }
0x74: {  	v15 =	vld [tilespmem:s14+$0x5F00];
	v0 =	vadd.f32 v3, v0  }
0x75: {  	v3 =	vld [tilespmem:s14+$0xA100]  }
0x76: {  	v16 =	vld [tilespmem:s14+$0x4700];
	v0 =	vadd.f32 v5, v0  }
0x77: {  	v5 =	vld [tilespmem:s14+$0xAD00]  }
0x78: {  	v58 =	vld [tilespmem:s14+$0x6500];
	v0 =	vadd.f32 v1, v0  }
0x79: {  	v1 =	vld [tilespmem:s14+$0xB900]  }
0x7a: {  	v59 =	vld [tilespmem:s14+$0x8000];
	v0 =	vadd.f32 v3, v0  }
0x7b: {  	v60 =	vld [tilespmem:s14+$0x6800]  }
0x7c: {  	v3 =	vld [tilespmem:s14+$0x5C00];
	v0 =	vadd.f32 v5, v0  }
0x7d: {  	v61 =	vld [tilespmem:s14+$0x6B00];
	v2 =	vadd.f32 v4, v2;
	v4 =	vadd.f32 v7, v6  }
0x7e: {  	v7 =	vadd.f32 v9, v8;
	v5 =	vld [tilespmem:s14+$0x4400];
	v0 =	vadd.f32 v1, v0  }
0x7f: {  	v2 =	vadd.f32 v10, v2;
	v4 =	vadd.f32 v11, v4;
	v1 =	vld [tilespmem:s14+$0x7A00]  }
0x80: {  	v7 =	vadd.f32 v12, v7;
	[tilespmem:s14+$0x14900] =	vst v0;
	v0 =	vld [tilespmem:s14+$0x6200]  }
0x81: {  	v6 =	vld [tilespmem:s14+$0x7D00];
	v2 =	vadd.f32 v13, v2;
	v3 =	vadd.f32 v3, v4  }
0x82: {  	v8 =	vld [tilespmem:s14+$0x4A00];
	v7 =	vadd.f32 v14, v7  }
0x83: {  	v62 =	vld [tilespmem:s14+$0xA700];
	v2 =	vadd.f32 v5, v2;
	v3 =	vadd.f32 v15, v3  }
0x84: {  	v4 =	vld [tilespmem:s14+$0x4D00];
	v1 =	vadd.f32 v1, v7  }
0x85: {  	v5 =	vld [tilespmem:s14+$0x8300];
	v2 =	vadd.f32 v16, v2;
	v0 =	vadd.f32 v0, v3  }
0x86: {  	v7 =	vld [tilespmem:s14+$0x5000];
	v1 =	vadd.f32 v6, v1  }
0x87: {  	v6 =	vld [tilespmem:s14+$0x8600];
	v2 =	vadd.f32 v8, v2;
	v0 =	vadd.f32 v58, v0  }
0x88: {  	v8 =	vld [tilespmem:s14+$0xA400];
	v3 =	vadd.f32 v59, v1  }
0x89: {  	v2 =	vadd.f32 v4, v2;
	v1 =	vld [tilespmem:s14+$0xAA00];
	v0 =	vadd.f32 v60, v0  }
0x8a: {  	v4 =	vadd.f32 v5, v3;
	v3 =	vld [tilespmem:s14+$0xB000]  }
0x8b: {  	v7 =	vadd.f32 v7, v2;
	v2 =	vld [tilespmem:s14+$0xB300];
	v63 =	vadd.f32 v61, v0  }
0x8c: {  	s15 =	simm.s32 $0x10;
	v5 =	vadd.f32 v6, v4;
	v4 =	vld [tilespmem:s14+$0xB600]  }
0x8d: {  	s16 =	simm.s32 $0x80;
	s13 =	sshll.u32 s23, $0x1;
	v6 =	vadd.f32 v8, v7;
	v0 =	vld [tilespmem:s15+$0x8900];
	v7 =	vadd.f32 v62, v63  }
.LBB2_3:
0x8e: {  	p1 =	sne.s32 s16, $0xBC0;
	v8 =	vld [tilespmem:s15+$0x8C00];
	v1 =	vadd.f32 v1, v5  }
0x8f: {  	v5 =	vld [tilespmem:s15+$0x3800];
	v3 =	vadd.f32 v3, v6  }
0x90: {  	v6 =	vld [tilespmem:s15+$0x8F00];
	v2 =	vadd.f32 v2, v7  }
0x91: {  	v7 =	vld [tilespmem:s15+$0x3B00];
	[tilespmem:s14+$0x14000] =	vst v3;
	v1 =	vadd.f32 v4, v1  }
0x92: {  	v3 =	vld [tilespmem:s15+$0x9200];
	[tilespmem:s14+$0x14300] =	vst v2  }
0x93: {  	v2 =	vld [tilespmem:s15+$0x5300];
	v0 =	vadd.f32 v8, v0;
	[tilespmem:s14+$0x14600] =	vst v1;
	s14 =	smov.u32 s15  }
0x94: {  	v1 =	vld [tilespmem:s14+$0x9500]  }
0x95: {  	v4 =	vld [tilespmem:s14+$0x5600];
	v0 =	vadd.f32 v6, v0  }
0x96: {  	v5 =	vadd.f32 v7, v5;
	v6 =	vld [tilespmem:s14+$0x9800]  }
0x97: {  	v7 =	vld [tilespmem:s14+$0x6E00];
	v0 =	vadd.f32 v3, v0  }
0x98: {  	v3 =	vld [tilespmem:s14+$0x9B00]  }
0x99: {  	v8 =	vld [tilespmem:s14+$0x7100];
	v0 =	vadd.f32 v1, v0  }
0x9a: {  	v1 =	vadd.f32 v4, v2;
	v2 =	vld [tilespmem:s14+$0x9E00]  }
0x9b: {  	v4 =	vld [tilespmem:s14+$0x3E00];
	v0 =	vadd.f32 v6, v0  }
0x9c: {  	v6 =	vld [tilespmem:s14+$0xA100]  }
0x9d: {  	v9 =	vld [tilespmem:s14+$0x5900];
	v0 =	vadd.f32 v3, v0  }
0x9e: {  	v3 =	vadd.f32 v8, v7;
	v7 =	vld [tilespmem:s14+$0xAD00]  }
0x9f: {  	v8 =	vld [tilespmem:s14+$0x7400];
	v0 =	vadd.f32 v2, v0  }
0xa0: {  	v2 =	vadd.f32 v4, v5;
	v4 =	vld [tilespmem:s14+$0xB900]  }
0xa1: {  	v5 =	vld [tilespmem:s14+$0x4100];
	v0 =	vadd.f32 v6, v0  }
0xa2: {  	v1 =	vadd.f32 v9, v1;
	v6 =	vld [tilespmem:s14+$0x5C00]  }
0xa3: {  	v9 =	vld [tilespmem:s14+$0x7700];
	v0 =	vadd.f32 v7, v0  }
0xa4: {  	v7 =	vld [tilespmem:s14+$0x4400];
	v3 =	vadd.f32 v8, v3  }
0xa5: {  	v8 =	vld [tilespmem:s14+$0x5F00];
	v0 =	vadd.f32 v4, v0  }
0xa6: {  	v2 =	vadd.f32 v5, v2;
	v4 =	vld [tilespmem:s14+$0x7A00]  }
0xa7: {  	v5 =	vld [tilespmem:s14+$0x4700];
	v1 =	vadd.f32 v6, v1;
	[tilespmem:s14+$0x14900] =	vst v0  }
0xa8: {  	v0 =	vld [tilespmem:s14+$0x6200];
	v3 =	vadd.f32 v9, v3  }
0xa9: {  	v2 =	vadd.f32 v7, v2;
	v6 =	vld [tilespmem:s14+$0x7D00]  }
0xaa: {  	v7 =	vld [tilespmem:s14+$0x4A00];
	v1 =	vadd.f32 v8, v1  }
0xab: {  	v8 =	vld [tilespmem:s14+$0x6500];
	v3 =	vadd.f32 v4, v3  }
0xac: {  	v2 =	vadd.f32 v5, v2;
	v4 =	vld [tilespmem:s14+$0x8000]  }
0xad: {  	v5 =	vld [tilespmem:s14+$0x4D00];
	v0 =	vadd.f32 v0, v1  }
0xae: {  	v1 =	vld [tilespmem:s14+$0x6800];
	v3 =	vadd.f32 v6, v3  }
0xaf: {  	v2 =	vadd.f32 v7, v2;
	v6 =	vld [tilespmem:s14+$0x8300]  }
0xb0: {  	v7 =	vld [tilespmem:s14+$0x5000];
	v0 =	vadd.f32 v8, v0  }
0xb1: {  	v8 =	vld [tilespmem:s14+$0x6B00];
	v3 =	vadd.f32 v4, v3  }
0xb2: {  	v2 =	vadd.f32 v5, v2;
	v4 =	vld [tilespmem:s14+$0x8600]  }
0xb3: {  	v9 =	vld [tilespmem:s14+$0xA400];
	v0 =	vadd.f32 v1, v0  }
0xb4: {  	v10 =	vld [tilespmem:s14+$0xA700];
	v5 =	vadd.f32 v6, v3  }
.Ltmp0:
0xb5: {  	v6 =	vadd.f32 v7, v2;
	v1 =	vld [tilespmem:s14+$0xAA00];
	(pc) =	sbr.rel @p1 .LBB2_3-.Ltmp0, $4  }
0xb6: {  	v3 =	vld [tilespmem:s14+$0xB000];
	v7 =	vadd.f32 v8, v0  }
0xb7: {  	v2 =	vld [tilespmem:s14+$0xB300];
	v5 =	vadd.f32 v4, v5  }
0xb8: {  	s15 =	sshra.s32 s16, $0x2;
	v6 =	vadd.f32 v9, v6;
	v4 =	vld [tilespmem:s14+$0xB600]  }
0xb9: {  	s16 =	sadd.s32 $0x40, s16;
	v0 =	vld [tilespmem:s15+$0x8900];
	v7 =	vadd.f32 v10, v7  }
0xba: {  	v8 =	vld [tilespmem:s15+$0x8C00]  }
0xbb: {  	v9 =	vld [tilespmem:s15+$0x3800];
	v1 =	vadd.f32 v1, v5;
	v3 =	vadd.f32 v3, v6  }
0xbc: {  	v10 =	vld [tilespmem:s15+$0x3B00];
	v2 =	vadd.f32 v2, v7  }
0xbd: {  	v6 =	vld [tilespmem:s15+$0x8F00];
	[tilespmem:s14+$0x14000] =	vst v3;
	v1 =	vadd.f32 v4, v1  }
0xbe: {  	v3 =	vld [tilespmem:s15+$0x9200];
	[tilespmem:s14+$0x14300] =	vst v2  }
0xbf: {  	v2 =	vld [tilespmem:s15+$0x5300];
	[tilespmem:s14+$0x14600] =	vst v1  }
0xc0: {  	v1 =	vld [tilespmem:s15+$0x9500]  }
0xc1: {  	v4 =	vld [tilespmem:s15+$0x5600]  }
0xc2: {  	v5 =	vld [tilespmem:s15+$0x9800]  }
0xc3: {  	v7 =	vld [tilespmem:s15+$0x7100]  }
0xc4: {  	v0 =	vadd.f32 v8, v0;
	v8 =	vld [tilespmem:s15+$0x3E00]  }
0xc5: {  	v11 =	vld [tilespmem:s15+$0x5900]  }
0xc6: {  	v12 =	vld [tilespmem:s15+$0x7400]  }
0xc7: {  	v13 =	vld [tilespmem:s15+$0x4100];
	v0 =	vadd.f32 v6, v0  }
0xc8: {  	v14 =	vld [tilespmem:s15+$0x7700]  }
0xc9: {  	v15 =	vld [tilespmem:s15+$0x5F00];
	v0 =	vadd.f32 v3, v0  }
0xca: {  	v3 =	vld [tilespmem:s15+$0x9B00]  }
0xcb: {  	v16 =	vld [tilespmem:s15+$0x4700];
	v0 =	vadd.f32 v1, v0  }
0xcc: {  	v1 =	vld [tilespmem:s15+$0x9E00]  }
0xcd: {  	v45 =	vld [tilespmem:s15+$0x7D00];
	v0 =	vadd.f32 v5, v0  }
0xce: {  	v5 =	vld [tilespmem:s15+$0xA100]  }
0xcf: {  	v46 =	vld [tilespmem:s15+$0x8000];
	v0 =	vadd.f32 v3, v0  }
0xd0: {  	v3 =	vld [tilespmem:s15+$0xAD00]  }
0xd1: {  	v6 =	vld [tilespmem:s15+$0x6E00];
	v0 =	vadd.f32 v1, v0  }
0xd2: {  	v1 =	vld [tilespmem:s15+$0xB900]  }
0xd3: {  	v47 =	vld [tilespmem:s15+$0x4D00];
	v0 =	vadd.f32 v5, v0  }
0xd4: {  	v48 =	vld [tilespmem:s15+$0x5000]  }
0xd5: {  	v9 =	vadd.f32 v10, v9;
	v5 =	vld [tilespmem:s15+$0x5C00];
	v0 =	vadd.f32 v3, v0  }
0xd6: {  	v2 =	vadd.f32 v4, v2;
	v6 =	vadd.f32 v7, v6;
	v3 =	vld [tilespmem:s15+$0x4400]  }
0xd7: {  	v49 =	vld [tilespmem:s15+$0xAA00];
	v7 =	vadd.f32 v8, v9;
	v0 =	vadd.f32 v1, v0  }
0xd8: {  	v2 =	vadd.f32 v11, v2;
	v1 =	vld [tilespmem:s15+$0x7A00]  }
0xd9: {  	v6 =	vadd.f32 v12, v6;
	v7 =	vadd.f32 v13, v7;
	[tilespmem:s15+$0x14900] =	vst v0;
	v0 =	vld [tilespmem:s15+$0x6200]  }
0xda: {  	v4 =	vld [tilespmem:s15+$0x4A00];
	v2 =	vadd.f32 v5, v2  }
0xdb: {  	v8 =	vld [tilespmem:s15+$0x6500];
	v6 =	vadd.f32 v14, v6;
	v3 =	vadd.f32 v3, v7  }
0xdc: {  	v5 =	vld [tilespmem:s15+$0x6800];
	v2 =	vadd.f32 v15, v2  }
0xdd: {  	v7 =	vld [tilespmem:s15+$0x8300];
	v1 =	vadd.f32 v1, v6;
	v3 =	vadd.f32 v16, v3  }
0xde: {  	v6 =	vld [tilespmem:s15+$0x6B00];
	v0 =	vadd.f32 v0, v2  }
0xdf: {  	v2 =	vld [tilespmem:s15+$0x8600];
	v1 =	vadd.f32 v45, v1;
	v3 =	vadd.f32 v4, v3  }
0xe0: {  	v4 =	vld [tilespmem:s15+$0xA400];
	v0 =	vadd.f32 v8, v0  }
0xe1: {  	v8 =	vld [tilespmem:s15+$0xA700];
	v1 =	vadd.f32 v46, v1;
	v3 =	vadd.f32 v47, v3  }
0xe2: {  	v0 =	vadd.f32 v5, v0;
	v5 =	vld [tilespmem:s15+$0xB000]  }
0xe3: {  	s12 =	sadd.s32 s7, s12;
	v1 =	vadd.f32 v7, v1;
	v3 =	vadd.f32 v48, v3;
	v7 =	vld [tilespmem:s15+$0xB300]  }
0xe4: {  	s12 =	smul.u32 $0x81, s12;
	v0 =	vadd.f32 v6, v0;
	v6 =	vld [tilespmem:s15+$0xB600]  }
0xe5: {  	s17 =	sshll.u32 s23, $0x3;
	v1 =	vadd.f32 v2, v1;
	v2 =	vadd.f32 v4, v3  }
0xe6: {  	s12 =	sadd.s32 $0x1, s12;
	s14 =	sand.u32 $0x78, s17;
	v0 =	vadd.f32 v8, v0  }
0xe7: {  	p1 =	seq.s32 s23, $0x7F;
	s14 =	sadd.s32 s14, s12;
	v1 =	vadd.f32 v49, v1;
	v2 =	vadd.f32 v5, v2  }
0xe8: {  	s13 =	sadd.s32 @!p1 $0x2, s13;
	s14 =	smul.u32 $0x300, s14;
	v0 =	vadd.f32 v7, v0  }
0xe9: {  	s16 =	sshrl.u32 @!p1 s13, $0x5;
	[tilespmem:s15+$0x14000] =	vst v2;
	v1 =	vadd.f32 v6, v1  }
0xea: {  	s13 =	sand.u32 @!p1 $0x1E, s13;
	s17 =	smul.u32 @!p1 $0x1400, s16;
	s14 =	sshrl.u32 s14, $0x3;
	[tilespmem:s15+$0x14300] =	vst v0  }
0xeb: {  	s14 =	sadd.s32 s2, s14;
	[tilespmem:s15+$0x14600] =	vst v1;
	s15 =	smul.u32 @!p1 $0xA0, s13  }
0xec: {  	[hbm4b:s14+s4] =	stream.linear.scatter [tilespmem:s26], [sflag:$0x3], $0xC00, $0x38;
	[tilespmem:$0x15B00] =	vst v63  }
0xed: {  	s14 =	sshra.s32 @!p1 s17, $0x2;
	s15 =	sshrl.u32 @!p1 s15, $0x2  }
0xee: {  	s17 =	simm.s32 @!p1 $0x3800;
	s14 =	sadd.s32 @!p1 s15, s14;
	s15 =	simm.s32 @!p1 $0x24  }
0xef: {  	[tilespmem:s17], [sflag:$0x1] =	stream.indirect.gather @!p1 [hbm4b:s5+s15], $0x300, s14, s15, $0xb8;
	[tilespmem:$0x15B00] =	vst v63  }
0xf0: {  	s13 =	sshll.u32 @!p1 s13, $0x3;
	s14 =	sshll.u32 @!p1 s16, $0x8  }
0xf1: {  	s13 =	sor.u32 @!p1 s13, s14  }
0xf2: {  	s15 =	simm.s32 @!p1 $0x4;
	s16 =	simm.s32 @!p1 $0xA400;
	s14 =	sadd.s32 @!p1 $0x2800, s13  }
0xf3: {  	[tilespmem:s16], [sflag:$0x1] =	stream.indirect.gather @!p1 [hbm4b:s6+s15], $0x300, s14, s15, $0xb8;
	[tilespmem:$0x15B00] =	vst v63  }
0xf4: {  	s13 =	sadd.s32 @!p1 $0x3000, s13;
	s14 =	simm.s32 @!p1 $0xB000  }
0xf5: {  	[tilespmem:s14], [sflag:$0x1] =	stream.indirect.gather @!p1 [hbm4b:s8+s15], $0x300, s13, s15, $0xb8;
	[tilespmem:$0x15B00] =	vst v63  }
0xf6: {  	_ =	swait.ge [sflag:s29], $0x6C00  }
0xf7: {  	[sflag:s29] =	ssyncset.done $0x0  }
0xf8: {  	[sflag:s29] =	ssyncadd.s32 $0xFFFF9400  }
0xf9: {  	_ =	swait.ge [sflag:s29], $0xC00  }
0xfa: {  	[sflag:s29] =	ssyncset.done $0x0  }
0xfb: {  	[sflag:s29] =	ssyncadd.s32 $0xFFFFF400  }
0xfc: {  	_ =	swait.ge [sflag:s29], $0xC00  }
0xfd: {  	[sflag:s29] =	ssyncset.done $0x0  }
0xfe: {  	s13 =	simm.s32 @!p0 $0x4;
	[sflag:s29] =	ssyncadd.s32 $0xFFFFF400  }
0xff: {  	_ =	swait.ge @!p0 [sflag:s13], $0xC00  }
0x100: {  	[sflag:s13] =	ssyncset.done @!p0 $0x0  }
0x101: {  	[sflag:s13] =	ssyncadd.s32 @!p0 $0xFFFFF400;
	s13 =	simm.s32 $0x0  }
0x102: {  	v0 =	vld [tilespmem:s13+$0x10D00]  }
0x103: {  	v1 =	vld [tilespmem:s13+$0x11000]  }
0x104: {  	v2 =	vld [tilespmem:s13+$0xBC00]  }
0x105: {  	v3 =	vld [tilespmem:s13+$0x11300]  }
0x106: {  	v4 =	vld [tilespmem:s13+$0xBF00]  }
0x107: {  	v5 =	vld [tilespmem:s13+$0x11600]  }
0x108: {  	v6 =	vld [tilespmem:s13+$0xD700]  }
0x109: {  	v7 =	vld [tilespmem:s13+$0xDA00]  }
0x10a: {  	v8 =	vld [tilespmem:s13+$0xF200]  }
0x10b: {  	v50 =	vld [tilespmem:s13+$0xF500]  }
0x10c: {  	v51 =	vld [tilespmem:s13+$0xC200]  }
0x10d: {  	v52 =	vld [tilespmem:s13+$0xDD00];
	v0 =	vadd.f32 v1, v0  }
0x10e: {  	v1 =	vld [tilespmem:s13+$0x11900]  }
0x10f: {  	v53 =	vld [tilespmem:s13+$0xF800];
	v0 =	vadd.f32 v3, v0  }
0x110: {  	v3 =	vld [tilespmem:s13+$0x11C00]  }
0x111: {  	v54 =	vld [tilespmem:s13+$0xC500];
	v0 =	vadd.f32 v5, v0  }
0x112: {  	v5 =	vld [tilespmem:s13+$0x11F00]  }
0x113: {  	v55 =	vld [tilespmem:s13+$0xFB00];
	v0 =	vadd.f32 v1, v0  }
0x114: {  	v1 =	vld [tilespmem:s13+$0x12200]  }
0x115: {  	v56 =	vld [tilespmem:s13+$0xE300];
	v0 =	vadd.f32 v3, v0  }
0x116: {  	v3 =	vld [tilespmem:s13+$0x12500]  }
0x117: {  	v57 =	vld [tilespmem:s13+$0xCB00];
	v0 =	vadd.f32 v5, v0  }
0x118: {  	v5 =	vld [tilespmem:s13+$0x13100]  }
0x119: {  	v58 =	vld [tilespmem:s13+$0xE900];
	v0 =	vadd.f32 v1, v0  }
0x11a: {  	v1 =	vld [tilespmem:s13+$0x13D00]  }
0x11b: {  	v59 =	vld [tilespmem:s13+$0x10400];
	v0 =	vadd.f32 v3, v0  }
0x11c: {  	v60 =	vld [tilespmem:s13+$0xEC00]  }
0x11d: {  	v3 =	vld [tilespmem:s13+$0xE000];
	v0 =	vadd.f32 v5, v0  }
0x11e: {  	v61 =	vld [tilespmem:s13+$0xEF00];
	v2 =	vadd.f32 v4, v2;
	v4 =	vadd.f32 v7, v6  }
0x11f: {  	v7 =	vadd.f32 v50, v8;
	v5 =	vld [tilespmem:s13+$0xC800];
	v0 =	vadd.f32 v1, v0  }
0x120: {  	v2 =	vadd.f32 v51, v2;
	v4 =	vadd.f32 v52, v4;
	v1 =	vld [tilespmem:s13+$0xFE00]  }
0x121: {  	v7 =	vadd.f32 v53, v7;
	[tilespmem:s13+$0x15500] =	vst v0;
	v0 =	vld [tilespmem:s13+$0xE600]  }
0x122: {  	v6 =	vld [tilespmem:s13+$0x10100];
	v2 =	vadd.f32 v54, v2;
	v3 =	vadd.f32 v3, v4  }
0x123: {  	v8 =	vld [tilespmem:s13+$0xCE00];
	v7 =	vadd.f32 v55, v7  }
0x124: {  	v62 =	vld [tilespmem:s13+$0x12B00];
	v2 =	vadd.f32 v5, v2;
	v3 =	vadd.f32 v56, v3  }
0x125: {  	v4 =	vld [tilespmem:s13+$0xD100];
	v1 =	vadd.f32 v1, v7  }
0x126: {  	v5 =	vld [tilespmem:s13+$0x10700];
	v2 =	vadd.f32 v57, v2;
	v0 =	vadd.f32 v0, v3  }
0x127: {  	v7 =	vld [tilespmem:s13+$0xD400];
	v1 =	vadd.f32 v6, v1  }
0x128: {  	v6 =	vld [tilespmem:s13+$0x10A00];
	v2 =	vadd.f32 v8, v2;
	v0 =	vadd.f32 v58, v0  }
0x129: {  	v8 =	vld [tilespmem:s13+$0x12800];
	v3 =	vadd.f32 v59, v1  }
0x12a: {  	v2 =	vadd.f32 v4, v2;
	v1 =	vld [tilespmem:s13+$0x12E00];
	v0 =	vadd.f32 v60, v0  }
0x12b: {  	v4 =	vadd.f32 v5, v3;
	v3 =	vld [tilespmem:s13+$0x13400]  }
0x12c: {  	v7 =	vadd.f32 v7, v2;
	v2 =	vld [tilespmem:s13+$0x13700];
	v63 =	vadd.f32 v61, v0  }
0x12d: {  	s15 =	simm.s32 $0x10;
	v5 =	vadd.f32 v6, v4;
	v4 =	vld [tilespmem:s13+$0x13A00]  }
0x12e: {  	s14 =	simm.s32 $0x80;
	v6 =	vadd.f32 v8, v7;
	v0 =	vld [tilespmem:s15+$0x10D00];
	v7 =	vadd.f32 v62, v63  }
.LBB2_5:
0x12f: {  	p0 =	sne.s32 s14, $0xBC0;
	v8 =	vld [tilespmem:s15+$0x11000];
	v1 =	vadd.f32 v1, v5  }
0x130: {  	v5 =	vld [tilespmem:s15+$0xBC00];
	v3 =	vadd.f32 v3, v6  }
0x131: {  	v6 =	vld [tilespmem:s15+$0x11300];
	v2 =	vadd.f32 v2, v7  }
0x132: {  	v7 =	vld [tilespmem:s15+$0xBF00];
	[tilespmem:s13+$0x14C00] =	vst v3;
	v1 =	vadd.f32 v4, v1  }
0x133: {  	v3 =	vld [tilespmem:s15+$0x11600];
	[tilespmem:s13+$0x14F00] =	vst v2  }
0x134: {  	v2 =	vld [tilespmem:s15+$0xD700];
	v0 =	vadd.f32 v8, v0;
	[tilespmem:s13+$0x15200] =	vst v1;
	s13 =	smov.u32 s15  }
0x135: {  	v1 =	vld [tilespmem:s13+$0x11900]  }
0x136: {  	v4 =	vld [tilespmem:s13+$0xDA00];
	v0 =	vadd.f32 v6, v0  }
0x137: {  	v5 =	vadd.f32 v7, v5;
	v6 =	vld [tilespmem:s13+$0x11C00]  }
0x138: {  	v7 =	vld [tilespmem:s13+$0xF200];
	v0 =	vadd.f32 v3, v0  }
0x139: {  	v3 =	vld [tilespmem:s13+$0x11F00]  }
0x13a: {  	v8 =	vld [tilespmem:s13+$0xF500];
	v0 =	vadd.f32 v1, v0  }
0x13b: {  	v1 =	vadd.f32 v4, v2;
	v2 =	vld [tilespmem:s13+$0x12200]  }
0x13c: {  	v4 =	vld [tilespmem:s13+$0xC200];
	v0 =	vadd.f32 v6, v0  }
0x13d: {  	v6 =	vld [tilespmem:s13+$0x12500]  }
0x13e: {  	v9 =	vld [tilespmem:s13+$0xDD00];
	v0 =	vadd.f32 v3, v0  }
0x13f: {  	v3 =	vadd.f32 v8, v7;
	v7 =	vld [tilespmem:s13+$0x13100]  }
0x140: {  	v8 =	vld [tilespmem:s13+$0xF800];
	v0 =	vadd.f32 v2, v0  }
0x141: {  	v2 =	vadd.f32 v4, v5;
	v4 =	vld [tilespmem:s13+$0x13D00]  }
0x142: {  	v5 =	vld [tilespmem:s13+$0xC500];
	v0 =	vadd.f32 v6, v0  }
0x143: {  	v1 =	vadd.f32 v9, v1;
	v6 =	vld [tilespmem:s13+$0xE000]  }
0x144: {  	v9 =	vld [tilespmem:s13+$0xFB00];
	v0 =	vadd.f32 v7, v0  }
0x145: {  	v7 =	vld [tilespmem:s13+$0xC800];
	v3 =	vadd.f32 v8, v3  }
0x146: {  	v8 =	vld [tilespmem:s13+$0xE300];
	v0 =	vadd.f32 v4, v0  }
0x147: {  	v2 =	vadd.f32 v5, v2;
	v4 =	vld [tilespmem:s13+$0xFE00]  }
0x148: {  	v5 =	vld [tilespmem:s13+$0xCB00];
	v1 =	vadd.f32 v6, v1;
	[tilespmem:s13+$0x15500] =	vst v0  }
0x149: {  	v0 =	vld [tilespmem:s13+$0xE600];
	v3 =	vadd.f32 v9, v3  }
0x14a: {  	v2 =	vadd.f32 v7, v2;
	v6 =	vld [tilespmem:s13+$0x10100]  }
0x14b: {  	v7 =	vld [tilespmem:s13+$0xCE00];
	v1 =	vadd.f32 v8, v1  }
0x14c: {  	v8 =	vld [tilespmem:s13+$0xE900];
	v3 =	vadd.f32 v4, v3  }
0x14d: {  	v2 =	vadd.f32 v5, v2;
	v4 =	vld [tilespmem:s13+$0x10400]  }
0x14e: {  	v5 =	vld [tilespmem:s13+$0xD100];
	v0 =	vadd.f32 v0, v1  }
0x14f: {  	v1 =	vld [tilespmem:s13+$0xEC00];
	v3 =	vadd.f32 v6, v3  }
0x150: {  	v2 =	vadd.f32 v7, v2;
	v6 =	vld [tilespmem:s13+$0x10700]  }
0x151: {  	v7 =	vld [tilespmem:s13+$0xD400];
	v0 =	vadd.f32 v8, v0  }
0x152: {  	v8 =	vld [tilespmem:s13+$0xEF00];
	v3 =	vadd.f32 v4, v3  }
0x153: {  	v2 =	vadd.f32 v5, v2;
	v4 =	vld [tilespmem:s13+$0x10A00]  }
0x154: {  	v9 =	vld [tilespmem:s13+$0x12800];
	v0 =	vadd.f32 v1, v0  }
0x155: {  	v10 =	vld [tilespmem:s13+$0x12B00];
	v5 =	vadd.f32 v6, v3  }
.Ltmp1:
0x156: {  	v6 =	vadd.f32 v7, v2;
	v1 =	vld [tilespmem:s13+$0x12E00];
	(pc) =	sbr.rel @p0 .LBB2_5-.Ltmp1, $4  }
0x157: {  	v3 =	vld [tilespmem:s13+$0x13400];
	v7 =	vadd.f32 v8, v0  }
0x158: {  	v2 =	vld [tilespmem:s13+$0x13700];
	v5 =	vadd.f32 v4, v5  }
0x159: {  	s15 =	sshra.s32 s14, $0x2;
	v6 =	vadd.f32 v9, v6;
	v4 =	vld [tilespmem:s13+$0x13A00]  }
0x15a: {  	s14 =	sadd.s32 $0x40, s14;
	v0 =	vld [tilespmem:s15+$0x10D00];
	v7 =	vadd.f32 v10, v7  }
0x15b: {  	v8 =	vld [tilespmem:s15+$0x11000]  }
0x15c: {  	v9 =	vld [tilespmem:s15+$0xBC00];
	v1 =	vadd.f32 v1, v5;
	v3 =	vadd.f32 v3, v6  }
0x15d: {  	v31 =	vld [tilespmem:s15+$0x11300];
	v2 =	vadd.f32 v2, v7  }
0x15e: {  	v10 =	vld [tilespmem:s15+$0xBF00];
	[tilespmem:s13+$0x14C00] =	vst v3;
	v1 =	vadd.f32 v4, v1  }
0x15f: {  	v3 =	vld [tilespmem:s15+$0x11600];
	[tilespmem:s13+$0x14F00] =	vst v2  }
0x160: {  	v2 =	vld [tilespmem:s15+$0xD700];
	[tilespmem:s13+$0x15200] =	vst v1  }
0x161: {  	v1 =	vld [tilespmem:s15+$0x11900]  }
0x162: {  	v32 =	vld [tilespmem:s15+$0xDA00]  }
0x163: {  	v33 =	vld [tilespmem:s15+$0x11C00]  }
0x164: {  	v34 =	vld [tilespmem:s15+$0xF200]  }
0x165: {  	v35 =	vld [tilespmem:s15+$0x11F00]  }
0x166: {  	v36 =	vld [tilespmem:s15+$0xF500]  }
0x167: {  	v37 =	vld [tilespmem:s15+$0x12200]  }
0x168: {  	v38 =	vld [tilespmem:s15+$0xC200]  }
0x169: {  	v39 =	vld [tilespmem:s15+$0x12500]  }
0x16a: {  	v11 =	vld [tilespmem:s15+$0xDD00]  }
0x16b: {  	v40 =	vld [tilespmem:s15+$0x13100]  }
0x16c: {  	v0 =	vadd.f32 v8, v0;
	v12 =	vld [tilespmem:s15+$0xF800]  }
0x16d: {  	v41 =	vld [tilespmem:s15+$0x13D00]  }
0x16e: {  	v13 =	vld [tilespmem:s15+$0xC500];
	v0 =	vadd.f32 v31, v0  }
0x16f: {  	v42 =	vld [tilespmem:s15+$0xE000]  }
0x170: {  	v14 =	vld [tilespmem:s15+$0xFB00];
	v0 =	vadd.f32 v3, v0  }
0x171: {  	v43 =	vld [tilespmem:s15+$0xC800]  }
0x172: {  	v15 =	vld [tilespmem:s15+$0xE300];
	v0 =	vadd.f32 v1, v0  }
0x173: {  	v44 =	vld [tilespmem:s15+$0xFE00]  }
0x174: {  	v16 =	vld [tilespmem:s15+$0xCB00];
	v0 =	vadd.f32 v33, v0  }
0x175: {  	v45 =	vld [tilespmem:s15+$0xE600]  }
0x176: {  	v9 =	vadd.f32 v10, v9;
	v46 =	vld [tilespmem:s15+$0x10100];
	v0 =	vadd.f32 v35, v0  }
0x177: {  	v47 =	vld [tilespmem:s15+$0xCE00];
	v2 =	vadd.f32 v32, v2;
	v6 =	vadd.f32 v36, v34  }
0x178: {  	v49 =	vld [tilespmem:s15+$0xE900];
	v48 =	vadd.f32 v38, v9;
	v0 =	vadd.f32 v37, v0  }
0x179: {  	v50 =	vld [tilespmem:s15+$0x10400];
	v2 =	vadd.f32 v11, v2;
	v6 =	vadd.f32 v12, v6  }
0x17a: {  	v51 =	vld [tilespmem:s15+$0xD100];
	v7 =	vadd.f32 v13, v48;
	v0 =	vadd.f32 v39, v0  }
0x17b: {  	v52 =	vld [tilespmem:s15+$0xEC00];
	v2 =	vadd.f32 v42, v2;
	v6 =	vadd.f32 v14, v6  }
0x17c: {  	v53 =	vld [tilespmem:s15+$0x10700];
	v3 =	vadd.f32 v43, v7;
	v0 =	vadd.f32 v40, v0  }
0x17d: {  	v54 =	vld [tilespmem:s15+$0xD400];
	v2 =	vadd.f32 v15, v2;
	v1 =	vadd.f32 v44, v6  }
0x17e: {  	v55 =	vld [tilespmem:s15+$0xEF00];
	v3 =	vadd.f32 v16, v3;
	v0 =	vadd.f32 v41, v0  }
0x17f: {  	v56 =	vld [tilespmem:s15+$0x10A00];
	v1 =	vadd.f32 v46, v1  }
0x180: {  	v57 =	vld [tilespmem:s15+$0x12800];
	v3 =	vadd.f32 v47, v3;
	[tilespmem:s15+$0x15500] =	vst v0;
	v0 =	vadd.f32 v45, v2  }
0x181: {  	v58 =	vld [tilespmem:s15+$0x12B00];
	v1 =	vadd.f32 v50, v1  }
0x182: {  	v59 =	vld [tilespmem:s15+$0x12E00];
	v3 =	vadd.f32 v51, v3;
	v0 =	vadd.f32 v49, v0  }
0x183: {  	v60 =	vld [tilespmem:s15+$0x13400];
	v1 =	vadd.f32 v53, v1  }
0x184: {  	v62 =	vld [tilespmem:s15+$0x13A00];
	v3 =	vadd.f32 v54, v3;
	v0 =	vadd.f32 v52, v0  }
0x185: {  	s24 =	sshll.u32 s24, $0x2;
	v61 =	vld [tilespmem:s15+$0x13700];
	v1 =	vadd.f32 v56, v1  }
0x186: {  	s13 =	sand.u32 $0x7C, s24;
	v63 =	vadd.f32 v57, v3;
	v0 =	vadd.f32 v55, v0  }
0x187: {  	s23 =	sadd.s32 $0x1, s23;
	s12 =	sadd.s32 s13, s12;
	v1 =	vadd.f32 v59, v1  }
0x188: {  	p0 =	sne.s32 s23, $0x80;
	s12 =	smul.u32 $0x300, s12;
	v2 =	vadd.f32 v60, v63;
	v0 =	vadd.f32 v58, v0  }
.Ltmp2:
0x189: {  	v1 =	vadd.f32 v62, v1;
	(pc) =	sbr.rel @p0 .LBB2_2-.Ltmp2, $4  }
0x18a: {  	[tilespmem:s15+$0x14C00] =	vst v2;
	v0 =	vadd.f32 v61, v0  }
0x18b: {  	s12 =	sshrl.u32 s12, $0x3;
	[tilespmem:s15+$0x15200] =	vst v1  }
0x18c: {  	s12 =	sadd.s32 s2, s12;
	[tilespmem:s15+$0x14F00] =	vst v0  }
0x18d: {  	[hbm4b:s12+s4] =	stream.linear.scatter [tilespmem:s30], [sflag:$0x4], $0xC00, $0x38;
	[tilespmem:$0x15B00] =	vst v63  }
0x18e: {  	_ =	swait.ge [sflag:s9], $0xC00  }
0x18f: {  	[sflag:s9] =	ssyncset.done $0x0  }
0x190: {  	[sflag:s9] =	ssyncadd.s32 $0xFFFFF400  }
0x191: {  	_ =	swait.ge [sflag:s28], $0xC00  }
0x192: {  	s10 =	sadd.s32 $0x1, s10;
	s12 =	rddreg [dreg:$0x7]  }
0x193: {  	p0 =	sne.s32 s10, s12  }
.Ltmp3:
0x194: {  	_ = 	snop;
	(pc) =	sbr.rel @p0 .LBB2_1-.Ltmp3, $3  }
0x195: {  	_ =	sdelay $0x1  }
0x196: {  	[sflag:s28] =	ssyncset.done $0x0  }
0x197: {  	[sflag:s28] =	ssyncadd.s32 $0xFFFFF400  }
0x198: {  	_ =	sfence.sel $0x180000  }
0x199: {  	[bflag:$0x0] =	sbarrier.arrive $0xFFFF  }
0x19a: {  	_ =	strace $0x90000047  }
0x19b: {  	s0 =	stileid.u32;
	[bflag:$0x2] =	sbarrier.arrive $0xFFFF  }
0x19c: {  	p0 =	sne.s32 s0, $0x0;
	s0 =	rddreg [dreg:$0x3]  }
0x19d: {  	s0 =	sadd.s32 @!p0 $0x100000, s0  }
0x19e: {  	[sflag:s0] =	ssyncadd.tile.s32 @!p0 $0x1;
	_ =	shalt  }
.Lfunc_end2:
_tile_overlayer_lowered:
.L_overlay_start_2:
0x19f: {  	(tag) =	ssettag $0x2  }
0x1a0: {  	s0 =	rddreg [dreg:$0x0];
	s2 =	stileid.u32  }
0x1a1: {  	s1 =	rddreg [dreg:$0x1];
	p0 =	sne.s32 s2, $0x0  }
0x1a2: {  	s3 =	rddreg [dreg:$0x2];
	[bflag:$0x3] =	sbarrier.arrive $0xFFFF;
	s2 =	simm.s32 @!p0 $0x1C05  }
0x1a3: {  	[timem:s3], [sflag:s2] =	dma.local @!p0 [hbm:s0], s1  }
0x1a4: {  	s0 =	simm.s32 @!p0 $0x5  }
0x1a5: {  	_ =	swait.ge @!p0 [sflag:s0], s1  }
0x1a6: {  	s1 =	ssub.s32 @!p0 $0x0, s1;
	[sflag:s0] =	ssyncset.done @!p0 $0x0  }
0x1a7: {  	[sflag:s0] =	ssyncadd.s32 @!p0 s1  }
0x1a8: {  	[bflag:$0x3] =	sbarrier.arrive $0xFFFF  }
0x1a9: {  	_ =	shalt  }

</sc_bundles>
